<compile_context>
chip_gen: v7x
topology: tpu7x:2x2x1
jax: 0.10.2.dev20260603
libtpu: 0.0.44.dev20260713+nightly
codegen_flags: <defaults>
</compile_context>

<pallas_src>
import functools
import math

import jax
import jax.numpy as jnp
from jax import lax
from jax.experimental import pallas as pl
from jax.experimental.pallas import tpu as pltpu
from jax.experimental.pallas import tpu_sc as plsc

EMBED = 64
HALF = 32
NTYPES = 100
TPAD = 128

B, S = 4096, 200
N = B * S

SC_N = 204800
TC_N = N - SC_N


PRO_ROWS = SC_N // 128


def _tc_prologue(dts_ref, table_ref, tw_ref, tb_ref, ew_ref, eb_ref,
                 dt2_ref, dtab_ref, vrow_ref):
    ftab = (table_ref[...] * math.sqrt(EMBED // 2)) @ ew_ref[HALF:, :]
    c = tb_ref[...] @ ew_ref[:HALF, :] + eb_ref[...]
    v = tw_ref[...] @ ew_ref[:HALF, :]
    dtab_ref[...] = 2.0 * (ftab + c)
    vrow_ref[...] = 2.0 * v
    dt2_ref[...] = jnp.log(dts_ref[...] + 1e-08)



NC, NS, L = 2, 16, 16
NW = NC * NS
PER_W = SC_N // NW
CH = 256
NCHUNK = PER_W // CH
IDX_SUB = 128

_sc_mesh = plsc.VectorSubcoreMesh(core_axis_name="c", subcore_axis_name="s")


@functools.partial(
    pl.kernel,
    out_type=jax.ShapeDtypeStruct((SC_N, EMBED), jnp.float32),
    mesh=_sc_mesh,
    scratch_types=[
        pltpu.VMEM((CH // IDX_SUB, 1, IDX_SUB), jnp.int32),
        pltpu.VMEM((CH,), jnp.float32),
        pltpu.VMEM((CH, EMBED), jnp.float32),
        pltpu.VMEM((1, EMBED), jnp.float32),
        pltpu.SemaphoreType.DMA,
    ],
    compiler_params=pltpu.CompilerParams(
        needs_layout_passes=False, use_tc_tiling_on_sc=False),
)
def _sc_main(dt2_hbm, types_hbm, vrow_hbm, dtab_hbm, out_hbm,
             idx_v, dt_v, rows_v, v_v, sem):
    wid = lax.axis_index("s") * NC + lax.axis_index("c")
    pltpu.sync_copy(vrow_hbm, v_v)
    v2 = [v_v[0, pl.ds(q * L, L)] for q in range(EMBED // L)]
    zeros16 = jnp.zeros((L,), jnp.int32)
    base = wid * PER_W

    def chunk_body(ci, _):
        el0 = base + ci * CH
        pltpu.sync_copy(types_hbm.at[pl.ds(el0 // IDX_SUB, CH // IDX_SUB)], idx_v)
        pltpu.sync_copy(dt2_hbm.at[pl.ds(el0, CH)], dt_v)
        copies = [
            pltpu.async_copy(dtab_hbm.at[idx_v.at[t, 0]],
                             rows_v.at[pl.ds(t * IDX_SUB, IDX_SUB)], sem)
            for t in range(CH // IDX_SUB)
        ]
        for cp in copies:
            cp.wait()

        @plsc.parallel_loop(0, CH, 1, unroll=8)
        def _elem(e):
            dts = plsc.load_gather(dt_v, [zeros16 + e])
            for q in range(EMBED // L):
                g2 = rows_v[e, pl.ds(q * L, L)]
                u = jnp.exp(jnp.minimum(g2 + dts * v2[q], 60.0))
                rows_v[e, pl.ds(q * L, L)] = (u - 1.0) / (u + 1.0)

        pltpu.sync_copy(rows_v, out_hbm.at[pl.ds(el0, CH)])
        return 0

    lax.fori_loop(0, NCHUNK, chunk_body, 0)



BLK = 8192
TC_GRID = TC_N // BLK


def _tc_body(dts_ref, types_ref, table_ref, tw_ref, tb_ref, ew_ref, eb_ref,
             out_ref):
    ftab = (table_ref[...] * math.sqrt(EMBED // 2)) @ ew_ref[HALF:, :]
    c = tb_ref[...] @ ew_ref[:HALF, :] + eb_ref[...]
    v = tw_ref[...] @ ew_ref[:HALF, :]
    row = jax.lax.broadcasted_iota(jnp.int32, (TPAD, EMBED), 0)
    ftab_full = jnp.where(row == TPAD - 1, v, ftab + c)

    types = types_ref[0]
    dt = jnp.log(dts_ref[0] + 1e-08)
    tid = jax.lax.broadcasted_iota(jnp.int32, (TPAD, BLK), 0)
    onehot_t = (tid == types).astype(jnp.float32)
    lhs = jnp.where(tid == TPAD - 1, dt, onehot_t)

    z = jax.lax.dot_general(lhs, ftab_full,
                            dimension_numbers=(((0,), (0,)), ((), ())),
                            preferred_element_type=jnp.float32)
    out_ref[...] = jnp.tanh(z)



def kernel(seq_dts, seq_types, type_table, time_W, time_b, enc_W, enc_b):
    dts_flat = seq_dts.reshape(N)
    types_flat = seq_types.astype(jnp.int32).reshape(N)
    table_pad = jnp.pad(type_table, ((0, TPAD - (NTYPES + 1)), (0, 0)))
    tw2 = time_W.reshape(1, HALF)
    tb2 = time_b.reshape(1, HALF)
    eb2 = enc_b.reshape(1, EMBED)

    dts_sc = dts_flat[:SC_N].reshape(PRO_ROWS, 128)
    dt2, dtab, vrow = pl.pallas_call(
        _tc_prologue,
        grid=(1,),
        in_specs=[
            pl.BlockSpec((PRO_ROWS, 128), lambda i: (0, 0)),
            pl.BlockSpec((TPAD, HALF), lambda i: (0, 0)),
            pl.BlockSpec((1, HALF), lambda i: (0, 0)),
            pl.BlockSpec((1, HALF), lambda i: (0, 0)),
            pl.BlockSpec((EMBED, EMBED), lambda i: (0, 0)),
            pl.BlockSpec((1, EMBED), lambda i: (0, 0)),
        ],
        out_specs=[
            pl.BlockSpec((PRO_ROWS, 128), lambda i: (0, 0)),
            pl.BlockSpec((TPAD, EMBED), lambda i: (0, 0)),
            pl.BlockSpec((1, EMBED), lambda i: (0, 0)),
        ],
        out_shape=[
            jax.ShapeDtypeStruct((PRO_ROWS, 128), jnp.float32),
            jax.ShapeDtypeStruct((TPAD, EMBED), jnp.float32),
            jax.ShapeDtypeStruct((1, EMBED), jnp.float32),
        ],
    )(dts_sc, table_pad, tw2, tb2, enc_W, eb2)

    types_sc = types_flat[:SC_N].reshape(SC_N // IDX_SUB, 1, IDX_SUB)
    sc_out = _sc_main(dt2.reshape(SC_N), types_sc, vrow, dtab)

    dts_tc = dts_flat[SC_N:].reshape(TC_GRID, 1, BLK)
    types_tc = types_flat[SC_N:].reshape(TC_GRID, 1, BLK)
    tc_out = pl.pallas_call(
        _tc_body,
        grid=(TC_GRID,),
        in_specs=[
            pl.BlockSpec((1, 1, BLK), lambda i: (i, 0, 0)),
            pl.BlockSpec((1, 1, BLK), lambda i: (i, 0, 0)),
            pl.BlockSpec((TPAD, HALF), lambda i: (0, 0)),
            pl.BlockSpec((1, HALF), lambda i: (0, 0)),
            pl.BlockSpec((1, HALF), lambda i: (0, 0)),
            pl.BlockSpec((EMBED, EMBED), lambda i: (0, 0)),
            pl.BlockSpec((1, EMBED), lambda i: (0, 0)),
        ],
        out_specs=pl.BlockSpec((BLK, EMBED), lambda i: (i, 0)),
        out_shape=jax.ShapeDtypeStruct((TC_N, EMBED), jnp.float32),
    )(dts_tc, types_tc, table_pad, tw2, tb2, enc_W, eb2)

    out = jnp.concatenate([sc_out, tc_out], axis=0)
    return out.reshape(B, S, EMBED)

# --- scband reference (transcript-rebuilt; emitter-appended) ---
"""Pipeline reference for scband-wrapper-28037546508663 (READ-ONLY COPY).

The authoritative reference and input builder live on the scoring server;
editing this copy changes nothing except your own understanding.
"""

import jax, jax.numpy as jnp
import numpy as np
import math

EMBED_SIZE = 64
HALF = EMBED_SIZE // 2
EVENT_TYPE_NUM = 100
MEAN_LOG_DT = 0.0
STD_LOG_DT = 1.0


def setup_inputs(seed: int = 0) -> dict:
    key = jax.random.key(seed)
    k1, k2, k3, k4, k5, k6, k7 = jax.random.split(key, 7)
    B, S = 4096, 200
    seq_dts = jax.random.uniform(k1, (B, S), dtype=jnp.float32)
    seq_types = jax.random.randint(k2, (B, S), 0, EVENT_TYPE_NUM, dtype=jnp.int64)
    # learned params: type embedding table, time embedding linear, encoder linear
    type_table = jax.random.normal(k3, (EVENT_TYPE_NUM + 1, HALF), dtype=jnp.float32) * 0.02
    time_W = jax.random.normal(k4, (1, HALF), dtype=jnp.float32) * 0.02
    time_b = jnp.zeros((HALF,), dtype=jnp.float32)
    enc_W = jax.random.normal(k5, (EMBED_SIZE, EMBED_SIZE), dtype=jnp.float32) * 0.02
    enc_b = jnp.zeros((EMBED_SIZE,), dtype=jnp.float32)
    return {"seq_dts": seq_dts, "seq_types": seq_types, "type_table": type_table,
            "time_W": time_W, "time_b": time_b, "enc_W": enc_W, "enc_b": enc_b}


def _transform_dt(seq_dts):
    seq_dts = jnp.log(seq_dts + 1e-08)
    return (seq_dts - MEAN_LOG_DT) / STD_LOG_DT


def reference(seq_dts, seq_types, type_table, time_W, time_b, enc_W, enc_b):
    # event embedding
    dt = _transform_dt(seq_dts)
    type_embedding = jnp.take(type_table, seq_types, axis=0) * math.sqrt(EMBED_SIZE // 2)
    time_embedding = dt[..., None] @ time_W + time_b
    embedding = jnp.concatenate([time_embedding, type_embedding], axis=-1)
    # encoder producing history embedding
    history_embedding = jnp.tanh(embedding @ enc_W + enc_b)
    return history_embedding

if __name__ == "__main__":
    import jax
    _d = setup_inputs()
    print(jax.jit(kernel)(*tuple(_d.values())))

</pallas_src>

<mosaic_0001>
#map = affine_map<(d0, d1) -> (0)>
#map1 = affine_map<(d0, d1) -> (0, 0, 0)>
#map2 = affine_map<(d0, d1) -> (0, 0)>
module attributes {stable_mosaic.version = 14 : i64} {
  func.func @_sc_main(%arg0: i32, %arg1: i32, %arg2: memref<204800xf32, #tpu.memory_space<hbm>>, %arg3: memref<1600x1x128xi32, #tpu.memory_space<hbm>>, %arg4: memref<1x64xf32, #tpu.memory_space<hbm>>, %arg5: memref<128x64xf32, #tpu.memory_space<hbm>>, %arg6: memref<204800x64xf32, #tpu.memory_space<hbm>>, %arg7: memref<2x1x128xi32, #tpu.memory_space<vmem>>, %arg8: memref<256xf32, #tpu.memory_space<vmem>>, %arg9: memref<256x64xf32, #tpu.memory_space<vmem>>, %arg10: memref<1x64xf32, #tpu.memory_space<vmem>>, %arg11: memref<!tpu.dma_semaphore, #tpu.memory_space<semaphore_mem>>) attributes {dimension_semantics = [#tpu.dimension_semantics<core_parallel>, #tpu.dimension_semantics<subcore_parallel>], iteration_bounds = array<i64: 2, 16>, scalar_prefetch = 0 : i64, scratch_operands = 5 : i64, tpu.core_type = #tpu.core_type<sc_vector_subcore>, window_params = [{transform_indices = #map}, {transform_indices = #map1}, {transform_indices = #map2}, {transform_indices = #map2}, {transform_indices = #map2}]} {
    %mul3A = arith.constant 2 : i32
    %mul3A_0 = arith.muli %arg1, %mul3A : i32
    %add3A = arith.addi %mul3A_0, %arg0 : i32
    "tpu.region"() ({
      %run_scoped3A = tpu.sem_alloc : memref<!tpu.dma_semaphore, #tpu.memory_space<semaphore_mem>>
      tpu.enqueue_dma source(%arg4 : memref<1x64xf32, #tpu.memory_space<hbm>>) target(%arg10 : memref<1x64xf32, #tpu.memory_space<vmem>>) target_semaphore(%run_scoped3A : memref<!tpu.dma_semaphore, #tpu.memory_space<semaphore_mem>>)
      tpu.wait_dma2 semaphore(%run_scoped3A : memref<!tpu.dma_semaphore, #tpu.memory_space<semaphore_mem>>) src(%arg4 : memref<1x64xf32, #tpu.memory_space<hbm>>) dst(%arg10 : memref<1x64xf32, #tpu.memory_space<vmem>>)
      tpu.yield
    }) : () -> ()
    %get3A = arith.constant 0 : i32
    %get3A_1 = arith.index_cast %get3A : i32 to index
    %get3A_2 = arith.constant 0 : index
    %get3A_3 = tpu.vector_load %arg10[%get3A_1, %get3A_2] {strides = array<i32>} : memref<1x64xf32, #tpu.memory_space<vmem>>, vector<16xf32>,
    %get3A_4 = arith.constant 0 : i32
    %get3A_5 = arith.index_cast %get3A_4 : i32 to index
    %get3A_6 = arith.constant 16 : index
    %get3A_7 = tpu.vector_load %arg10[%get3A_5, %get3A_6] {strides = array<i32>} : memref<1x64xf32, #tpu.memory_space<vmem>>, vector<16xf32>,
    %get3A_8 = arith.constant 0 : i32
    %get3A_9 = arith.index_cast %get3A_8 : i32 to index
    %get3A_10 = arith.constant 32 : index
    %get3A_11 = tpu.vector_load %arg10[%get3A_9, %get3A_10] {strides = array<i32>} : memref<1x64xf32, #tpu.memory_space<vmem>>, vector<16xf32>,
    %get3A_12 = arith.constant 0 : i32
    %get3A_13 = arith.index_cast %get3A_12 : i32 to index
    %get3A_14 = arith.constant 48 : index
    %get3A_15 = tpu.vector_load %arg10[%get3A_13, %get3A_14] {strides = array<i32>} : memref<1x64xf32, #tpu.memory_space<vmem>>, vector<16xf32>,
    %broadcast_in_dim3A = arith.constant 0 : i32
    %broadcast_in_dim3A_16 = vector.broadcast %broadcast_in_dim3A : i32 to vector<16xi32>
    %mul3A_17 = arith.constant 6400 : i32
    %mul3A_18 = arith.muli %add3A, %mul3A_17 : i32
    %scan3A = arith.constant 0 : i32
    %scan3A_19 = arith.constant 0 : i32
    %scan3A_20 = arith.constant 25 : i32
    %scan3A_21 = arith.addi %scan3A_19, %scan3A_20 : i32
    %scan3A_22 = arith.constant 1 : i32
    %scan3A_23 = scf.for %scan3A_25 = %scan3A_19 to %scan3A_21 step %scan3A_22 iter_args(%scan3A_26 = %scan3A) -> (i32)  : i32 {
      %mul3A_27 = arith.constant 256 : i32
      %mul3A_28 = arith.muli %scan3A_25, %mul3A_27 : i32
      %add3A_29 = arith.addi %mul3A_18, %mul3A_28 : i32
      %jit3A = arith.constant 128 : i32
      %div3A = arith.divsi %add3A_29, %jit3A : i32
      %sign3A = arith.constant 0 : i32
      %sign3A_30 = arith.cmpi sgt, %add3A_29, %sign3A : i32
      %sign3A_31 = arith.extui %sign3A_30 : i1 to i32
      %sign3A_32 = arith.constant 0 : i32
      %sign3A_33 = arith.cmpi slt, %add3A_29, %sign3A_32 : i32
      %sign3A_34 = arith.extui %sign3A_33 : i1 to i32
      %sign3A_35 = arith.subi %sign3A_31, %sign3A_34 : i32
      %sign3A_36 = arith.constant 0 : i32
      %sign3A_37 = arith.cmpi sgt, %jit3A, %sign3A_36 : i32
      %sign3A_38 = arith.extui %sign3A_37 : i1 to i32
      %sign3A_39 = arith.constant 0 : i32
      %sign3A_40 = arith.cmpi slt, %jit3A, %sign3A_39 : i32
      %sign3A_41 = arith.extui %sign3A_40 : i1 to i32
      %sign3A_42 = arith.subi %sign3A_38, %sign3A_41 : i32
      %ne3A = arith.cmpi ne, %sign3A_35, %sign3A_42 : i32
      %rem3A = arith.remsi %add3A_29, %jit3A : i32
      %ne3A_43 = arith.constant 0 : i32
      %ne3A_44 = arith.cmpi ne, %rem3A, %ne3A_43 : i32
      %and3A = arith.andi %ne3A, %ne3A_44 : i1
      %sub3A = arith.constant 1 : i32
      %sub3A_45 = arith.subi %div3A, %sub3A : i32
      %select_n3A = arith.select %and3A, %sub3A_45, %div3A : i32
      "tpu.region"() ({
        %run_scoped3A = tpu.sem_alloc : memref<!tpu.dma_semaphore, #tpu.memory_space<semaphore_mem>>
        %dma_start3A_91 = arith.constant 0 : i32
        %dma_start3A_92 = arith.constant 0 : i32
        %dma_start3A_93 = tpu.memref_slice %arg3[%select_n3A, %dma_start3A_91, %dma_start3A_92] : memref<1600x1x128xi32, #tpu.memory_space<hbm>> -> memref<2x1x128xi32, #tpu.memory_space<hbm>>
        %dma_start3A_94 = arith.constant 0 : i32
        %dma_start3A_95 = arith.constant 0 : i32
        %dma_start3A_96 = tpu.memref_slice %arg3[%select_n3A, %dma_start3A_94, %dma_start3A_95] : memref<1600x1x128xi32, #tpu.memory_space<hbm>> -> memref<2x1x128xi32, #tpu.memory_space<hbm>>
        tpu.enqueue_dma source(%dma_start3A_96 : memref<2x1x128xi32, #tpu.memory_space<hbm>>) target(%arg7 : memref<2x1x128xi32, #tpu.memory_space<vmem>>) target_semaphore(%run_scoped3A : memref<!tpu.dma_semaphore, #tpu.memory_space<semaphore_mem>>)
        %dma_wait3A_97 = arith.constant 0 : i32
        %dma_wait3A_98 = arith.constant 0 : i32
        %dma_wait3A_99 = tpu.memref_slice %arg3[%select_n3A, %dma_wait3A_97, %dma_wait3A_98] : memref<1600x1x128xi32, #tpu.memory_space<hbm>> -> memref<2x1x128xi32, #tpu.memory_space<hbm>>
        %dma_wait3A_100 = arith.constant 0 : i32
        %dma_wait3A_101 = arith.constant 0 : i32
        %dma_wait3A_102 = tpu.memref_slice %arg3[%select_n3A, %dma_wait3A_100, %dma_wait3A_101] : memref<1600x1x128xi32, #tpu.memory_space<hbm>> -> memref<2x1x128xi32, #tpu.memory_space<hbm>>
        tpu.wait_dma2 semaphore(%run_scoped3A : memref<!tpu.dma_semaphore, #tpu.memory_space<semaphore_mem>>) src(%dma_wait3A_102 : memref<2x1x128xi32, #tpu.memory_space<hbm>>) dst(%arg7 : memref<2x1x128xi32, #tpu.memory_space<vmem>>)
        tpu.yield
      }) : () -> ()
      "tpu.region"() ({
        %run_scoped3A = tpu.sem_alloc : memref<!tpu.dma_semaphore, #tpu.memory_space<semaphore_mem>>
        %dma_start3A_91 = tpu.memref_slice %arg2[%add3A_29] : memref<204800xf32, #tpu.memory_space<hbm>> -> memref<256xf32, #tpu.memory_space<hbm>>
        %dma_start3A_92 = tpu.memref_slice %arg2[%add3A_29] : memref<204800xf32, #tpu.memory_space<hbm>> -> memref<256xf32, #tpu.memory_space<hbm>>
        tpu.enqueue_dma source(%dma_start3A_92 : memref<256xf32, #tpu.memory_space<hbm>>) target(%arg8 : memref<256xf32, #tpu.memory_space<vmem>>) target_semaphore(%run_scoped3A : memref<!tpu.dma_semaphore, #tpu.memory_space<semaphore_mem>>)
        %dma_wait3A_93 = tpu.memref_slice %arg2[%add3A_29] : memref<204800xf32, #tpu.memory_space<hbm>> -> memref<256xf32, #tpu.memory_space<hbm>>
        %dma_wait3A_94 = tpu.memref_slice %arg2[%add3A_29] : memref<204800xf32, #tpu.memory_space<hbm>> -> memref<256xf32, #tpu.memory_space<hbm>>
        tpu.wait_dma2 semaphore(%run_scoped3A : memref<!tpu.dma_semaphore, #tpu.memory_space<semaphore_mem>>) src(%dma_wait3A_94 : memref<256xf32, #tpu.memory_space<hbm>>) dst(%arg8 : memref<256xf32, #tpu.memory_space<vmem>>)
        tpu.yield
      }) : () -> ()
      %dma_start3A = arith.constant 0 : i32
      %dma_start3A_46 = arith.constant 0 : i32
      %dma_start3A_47 = arith.constant 0 : i32
      %dma_start3A_48 = arith.constant 0 : i32
      %dma_start3A_49 = tpu.memref_slice %arg9[%dma_start3A_47, %dma_start3A_48] : memref<256x64xf32, #tpu.memory_space<vmem>> -> memref<128x64xf32, #tpu.memory_space<vmem>>
      %dma_start3A_50 = arith.constant 0 : i32
      %dma_start3A_51 = tpu.memref_slice %arg7[%dma_start3A, %dma_start3A_46, %dma_start3A_50] : memref<2x1x128xi32, #tpu.memory_space<vmem>> -> memref<1x1x128xi32, #tpu.memory_space<vmem>>
      %dma_start3A_52 = tpu.memref_squeeze %dma_start3A_51 : memref<1x1x128xi32, #tpu.memory_space<vmem>> -> memref<128xi32, #tpu.memory_space<vmem>>
      %dma_start3A_53 = arith.constant 0 : i32
      %dma_start3A_54 = arith.constant 0 : i32
      %dma_start3A_55 = tpu.memref_slice %arg5[%dma_start3A_53, %dma_start3A_54] : memref<128x64xf32, #tpu.memory_space<hbm>> -> memref<128x64xf32, #tpu.memory_space<hbm>>
      tpu.enqueue_indirect_dma source(%dma_start3A_55 : memref<128x64xf32, #tpu.memory_space<hbm>>) target(%dma_start3A_49 : memref<128x64xf32, #tpu.memory_space<vmem>>) offsets(%dma_start3A_52 : memref<128xi32, #tpu.memory_space<vmem>>) semaphore(%arg11 : memref<!tpu.dma_semaphore, #tpu.memory_space<semaphore_mem>>)
      %dma_start3A_56 = arith.constant 1 : i32
      %dma_start3A_57 = arith.constant 0 : i32
      %dma_start3A_58 = arith.constant 128 : i32
      %dma_start3A_59 = arith.constant 0 : i32
      %dma_start3A_60 = tpu.memref_slice %arg9[%dma_start3A_58, %dma_start3A_59] : memref<256x64xf32, #tpu.memory_space<vmem>> -> memref<128x64xf32, #tpu.memory_space<vmem>>
      %dma_start3A_61 = arith.constant 0 : i32
      %dma_start3A_62 = tpu.memref_slice %arg7[%dma_start3A_56, %dma_start3A_57, %dma_start3A_61] : memref<2x1x128xi32, #tpu.memory_space<vmem>> -> memref<1x1x128xi32, #tpu.memory_space<vmem>>
      %dma_start3A_63 = tpu.memref_squeeze %dma_start3A_62 : memref<1x1x128xi32, #tpu.memory_space<vmem>> -> memref<128xi32, #tpu.memory_space<vmem>>
      %dma_start3A_64 = arith.constant 0 : i32
      %dma_start3A_65 = arith.constant 0 : i32
      %dma_start3A_66 = tpu.memref_slice %arg5[%dma_start3A_64, %dma_start3A_65] : memref<128x64xf32, #tpu.memory_space<hbm>> -> memref<128x64xf32, #tpu.memory_space<hbm>>
      tpu.enqueue_indirect_dma source(%dma_start3A_66 : memref<128x64xf32, #tpu.memory_space<hbm>>) target(%dma_start3A_60 : memref<128x64xf32, #tpu.memory_space<vmem>>) offsets(%dma_start3A_63 : memref<128xi32, #tpu.memory_space<vmem>>) semaphore(%arg11 : memref<!tpu.dma_semaphore, #tpu.memory_space<semaphore_mem>>)
      %dma_wait3A = arith.constant 0 : i32
      %dma_wait3A_67 = arith.constant 0 : i32
      %dma_wait3A_68 = arith.constant 0 : i32
      %dma_wait3A_69 = arith.constant 0 : i32
      %dma_wait3A_70 = tpu.memref_slice %arg9[%dma_wait3A_68, %dma_wait3A_69] : memref<256x64xf32, #tpu.memory_space<vmem>> -> memref<128x64xf32, #tpu.memory_space<vmem>>
      %dma_wait3A_71 = arith.constant 0 : i32
      %dma_wait3A_72 = tpu.memref_slice %arg7[%dma_wait3A, %dma_wait3A_67, %dma_wait3A_71] : memref<2x1x128xi32, #tpu.memory_space<vmem>> -> memref<1x1x128xi32, #tpu.memory_space<vmem>>
      %dma_wait3A_73 = tpu.memref_squeeze %dma_wait3A_72 : memref<1x1x128xi32, #tpu.memory_space<vmem>> -> memref<128xi32, #tpu.memory_space<vmem>>
      %dma_wait3A_74 = arith.constant 0 : i32
      %dma_wait3A_75 = arith.constant 0 : i32
      %dma_wait3A_76 = tpu.memref_slice %arg5[%dma_wait3A_74, %dma_wait3A_75] : memref<128x64xf32, #tpu.memory_space<hbm>> -> memref<128x64xf32, #tpu.memory_space<hbm>>
      tpu.wait_indirect_dma semaphore(%arg11 : memref<!tpu.dma_semaphore, #tpu.memory_space<semaphore_mem>>) src(%dma_wait3A_76 : memref<128x64xf32, #tpu.memory_space<hbm>>) dst(%dma_wait3A_70 : memref<128x64xf32, #tpu.memory_space<vmem>>)
      %dma_wait3A_77 = arith.constant 1 : i32
      %dma_wait3A_78 = arith.constant 0 : i32
      %dma_wait3A_79 = arith.constant 128 : i32
      %dma_wait3A_80 = arith.constant 0 : i32
      %dma_wait3A_81 = tpu.memref_slice %arg9[%dma_wait3A_79, %dma_wait3A_80] : memref<256x64xf32, #tpu.memory_space<vmem>> -> memref<128x64xf32, #tpu.memory_space<vmem>>
      %dma_wait3A_82 = arith.constant 0 : i32
      %dma_wait3A_83 = tpu.memref_slice %arg7[%dma_wait3A_77, %dma_wait3A_78, %dma_wait3A_82] : memref<2x1x128xi32, #tpu.memory_space<vmem>> -> memref<1x1x128xi32, #tpu.memory_space<vmem>>
      %dma_wait3A_84 = tpu.memref_squeeze %dma_wait3A_83 : memref<1x1x128xi32, #tpu.memory_space<vmem>> -> memref<128xi32, #tpu.memory_space<vmem>>
      %dma_wait3A_85 = arith.constant 0 : i32
      %dma_wait3A_86 = arith.constant 0 : i32
      %dma_wait3A_87 = tpu.memref_slice %arg5[%dma_wait3A_85, %dma_wait3A_86] : memref<128x64xf32, #tpu.memory_space<hbm>> -> memref<128x64xf32, #tpu.memory_space<hbm>>
      tpu.wait_indirect_dma semaphore(%arg11 : memref<!tpu.dma_semaphore, #tpu.memory_space<semaphore_mem>>) src(%dma_wait3A_87 : memref<128x64xf32, #tpu.memory_space<hbm>>) dst(%dma_wait3A_81 : memref<128x64xf32, #tpu.memory_space<vmem>>)
      %parallel_loop3A = arith.constant 0 : i32
      %parallel_loop3A_88 = arith.constant 256 : i32
      %parallel_loop3A_89 = arith.constant 1 : i32
      scf.for %parallel_loop3A_91 = %parallel_loop3A to %parallel_loop3A_88 step %parallel_loop3A_89  : i32 {
        %parallel_loop3A_92 = vector.broadcast %parallel_loop3A_91 : i32 to vector<16xi32>
        %parallel_loop3A_93 = arith.addi %broadcast_in_dim3A_16, %parallel_loop3A_92 : vector<16xi32>
        %parallel_loop3A_94 = tpu.vector_load_idx %arg8[%parallel_loop3A_93] : memref<256xf32, #tpu.memory_space<vmem>>[vector<16xi32>], vector<16xf32>,
        %parallel_loop3A_95 = arith.index_cast %parallel_loop3A_91 : i32 to index
        %parallel_loop3A_96 = arith.constant 0 : index
        %parallel_loop3A_97 = tpu.vector_load %arg9[%parallel_loop3A_95, %parallel_loop3A_96] {strides = array<i32>} : memref<256x64xf32, #tpu.memory_space<vmem>>, vector<16xf32>,
        %parallel_loop3A_98 = arith.mulf %parallel_loop3A_94, %get3A_3 : vector<16xf32>
        %parallel_loop3A_99 = arith.addf %parallel_loop3A_97, %parallel_loop3A_98 : vector<16xf32>
        %parallel_loop3A_100 = arith.constant 6.000000e+01 : f32
        %parallel_loop3A_101 = vector.broadcast %parallel_loop3A_100 : f32 to vector<16xf32>
        %parallel_loop3A_102 = arith.minimumf %parallel_loop3A_99, %parallel_loop3A_101 : vector<16xf32>
        %parallel_loop3A_103 = math.exp %parallel_loop3A_102 : vector<16xf32>
        %parallel_loop3A_104 = arith.constant 1.000000e+00 : f32
        %parallel_loop3A_105 = vector.broadcast %parallel_loop3A_104 : f32 to vector<16xf32>
        %parallel_loop3A_106 = arith.subf %parallel_loop3A_103, %parallel_loop3A_105 : vector<16xf32>
        %parallel_loop3A_107 = arith.constant 1.000000e+00 : f32
        %parallel_loop3A_108 = vector.broadcast %parallel_loop3A_107 : f32 to vector<16xf32>
        %parallel_loop3A_109 = arith.addf %parallel_loop3A_103, %parallel_loop3A_108 : vector<16xf32>
        %parallel_loop3A_110 = arith.divf %parallel_loop3A_106, %parallel_loop3A_109 : vector<16xf32>
        %parallel_loop3A_111 = arith.index_cast %parallel_loop3A_91 : i32 to index
        %parallel_loop3A_112 = arith.constant 0 : index
        %parallel_loop3A_113 = tpu.vector_load %arg9[%parallel_loop3A_111, %parallel_loop3A_112] {strides = array<i32>} : memref<256x64xf32, #tpu.memory_space<vmem>>, vector<16xf32>,
        tpu.vector_store %arg9[%parallel_loop3A_111, %parallel_loop3A_112], %parallel_loop3A_110 {strides = array<i32>} : memref<256x64xf32, #tpu.memory_space<vmem>>, vector<16xf32>,
        %parallel_loop3A_114 = arith.index_cast %parallel_loop3A_91 : i32 to index
        %parallel_loop3A_115 = arith.constant 16 : index
        %parallel_loop3A_116 = tpu.vector_load %arg9[%parallel_loop3A_114, %parallel_loop3A_115] {strides = array<i32>} : memref<256x64xf32, #tpu.memory_space<vmem>>, vector<16xf32>,
        %parallel_loop3A_117 = arith.mulf %parallel_loop3A_94, %get3A_7 : vector<16xf32>
        %parallel_loop3A_118 = arith.addf %parallel_loop3A_116, %parallel_loop3A_117 : vector<16xf32>
        %parallel_loop3A_119 = arith.constant 6.000000e+01 : f32
        %parallel_loop3A_120 = vector.broadcast %parallel_loop3A_119 : f32 to vector<16xf32>
        %parallel_loop3A_121 = arith.minimumf %parallel_loop3A_118, %parallel_loop3A_120 : vector<16xf32>
        %parallel_loop3A_122 = math.exp %parallel_loop3A_121 : vector<16xf32>
        %parallel_loop3A_123 = arith.constant 1.000000e+00 : f32
        %parallel_loop3A_124 = vector.broadcast %parallel_loop3A_123 : f32 to vector<16xf32>
        %parallel_loop3A_125 = arith.subf %parallel_loop3A_122, %parallel_loop3A_124 : vector<16xf32>
        %parallel_loop3A_126 = arith.constant 1.000000e+00 : f32
        %parallel_loop3A_127 = vector.broadcast %parallel_loop3A_126 : f32 to vector<16xf32>
        %parallel_loop3A_128 = arith.addf %parallel_loop3A_122, %parallel_loop3A_127 : vector<16xf32>
        %parallel_loop3A_129 = arith.divf %parallel_loop3A_125, %parallel_loop3A_128 : vector<16xf32>
        %parallel_loop3A_130 = arith.index_cast %parallel_loop3A_91 : i32 to index
        %parallel_loop3A_131 = arith.constant 16 : index
        %parallel_loop3A_132 = tpu.vector_load %arg9[%parallel_loop3A_130, %parallel_loop3A_131] {strides = array<i32>} : memref<256x64xf32, #tpu.memory_space<vmem>>, vector<16xf32>,
        tpu.vector_store %arg9[%parallel_loop3A_130, %parallel_loop3A_131], %parallel_loop3A_129 {strides = array<i32>} : memref<256x64xf32, #tpu.memory_space<vmem>>, vector<16xf32>,
        %parallel_loop3A_133 = arith.index_cast %parallel_loop3A_91 : i32 to index
        %parallel_loop3A_134 = arith.constant 32 : index
        %parallel_loop3A_135 = tpu.vector_load %arg9[%parallel_loop3A_133, %parallel_loop3A_134] {strides = array<i32>} : memref<256x64xf32, #tpu.memory_space<vmem>>, vector<16xf32>,
        %parallel_loop3A_136 = arith.mulf %parallel_loop3A_94, %get3A_11 : vector<16xf32>
        %parallel_loop3A_137 = arith.addf %parallel_loop3A_135, %parallel_loop3A_136 : vector<16xf32>
        %parallel_loop3A_138 = arith.constant 6.000000e+01 : f32
        %parallel_loop3A_139 = vector.broadcast %parallel_loop3A_138 : f32 to vector<16xf32>
        %parallel_loop3A_140 = arith.minimumf %parallel_loop3A_137, %parallel_loop3A_139 : vector<16xf32>
        %parallel_loop3A_141 = math.exp %parallel_loop3A_140 : vector<16xf32>
        %parallel_loop3A_142 = arith.constant 1.000000e+00 : f32
        %parallel_loop3A_143 = vector.broadcast %parallel_loop3A_142 : f32 to vector<16xf32>
        %parallel_loop3A_144 = arith.subf %parallel_loop3A_141, %parallel_loop3A_143 : vector<16xf32>
        %parallel_loop3A_145 = arith.constant 1.000000e+00 : f32
        %parallel_loop3A_146 = vector.broadcast %parallel_loop3A_145 : f32 to vector<16xf32>
        %parallel_loop3A_147 = arith.addf %parallel_loop3A_141, %parallel_loop3A_146 : vector<16xf32>
        %parallel_loop3A_148 = arith.divf %parallel_loop3A_144, %parallel_loop3A_147 : vector<16xf32>
        %parallel_loop3A_149 = arith.index_cast %parallel_loop3A_91 : i32 to index
        %parallel_loop3A_150 = arith.constant 32 : index
        %parallel_loop3A_151 = tpu.vector_load %arg9[%parallel_loop3A_149, %parallel_loop3A_150] {strides = array<i32>} : memref<256x64xf32, #tpu.memory_space<vmem>>, vector<16xf32>,
        tpu.vector_store %arg9[%parallel_loop3A_149, %parallel_loop3A_150], %parallel_loop3A_148 {strides = array<i32>} : memref<256x64xf32, #tpu.memory_space<vmem>>, vector<16xf32>,
        %parallel_loop3A_152 = arith.index_cast %parallel_loop3A_91 : i32 to index
        %parallel_loop3A_153 = arith.constant 48 : index
        %parallel_loop3A_154 = tpu.vector_load %arg9[%parallel_loop3A_152, %parallel_loop3A_153] {strides = array<i32>} : memref<256x64xf32, #tpu.memory_space<vmem>>, vector<16xf32>,
        %parallel_loop3A_155 = arith.mulf %parallel_loop3A_94, %get3A_15 : vector<16xf32>
        %parallel_loop3A_156 = arith.addf %parallel_loop3A_154, %parallel_loop3A_155 : vector<16xf32>
        %parallel_loop3A_157 = arith.constant 6.000000e+01 : f32
        %parallel_loop3A_158 = vector.broadcast %parallel_loop3A_157 : f32 to vector<16xf32>
        %parallel_loop3A_159 = arith.minimumf %parallel_loop3A_156, %parallel_loop3A_158 : vector<16xf32>
        %parallel_loop3A_160 = math.exp %parallel_loop3A_159 : vector<16xf32>
        %parallel_loop3A_161 = arith.constant 1.000000e+00 : f32
        %parallel_loop3A_162 = vector.broadcast %parallel_loop3A_161 : f32 to vector<16xf32>
        %parallel_loop3A_163 = arith.subf %parallel_loop3A_160, %parallel_loop3A_162 : vector<16xf32>
        %parallel_loop3A_164 = arith.constant 1.000000e+00 : f32
        %parallel_loop3A_165 = vector.broadcast %parallel_loop3A_164 : f32 to vector<16xf32>
        %parallel_loop3A_166 = arith.addf %parallel_loop3A_160, %parallel_loop3A_165 : vector<16xf32>
        %parallel_loop3A_167 = arith.divf %parallel_loop3A_163, %parallel_loop3A_166 : vector<16xf32>
        %parallel_loop3A_168 = arith.index_cast %parallel_loop3A_91 : i32 to index
        %parallel_loop3A_169 = arith.constant 48 : index
        %parallel_loop3A_170 = tpu.vector_load %arg9[%parallel_loop3A_168, %parallel_loop3A_169] {strides = array<i32>} : memref<256x64xf32, #tpu.memory_space<vmem>>, vector<16xf32>,
        tpu.vector_store %arg9[%parallel_loop3A_168, %parallel_loop3A_169], %parallel_loop3A_167 {strides = array<i32>} : memref<256x64xf32, #tpu.memory_space<vmem>>, vector<16xf32>,
      } {sc.loop_unroll_factor = 8 : i64, sc.parallel_access}
      "tpu.region"() ({
        %run_scoped3A = tpu.sem_alloc : memref<!tpu.dma_semaphore, #tpu.memory_space<semaphore_mem>>
        %dma_start3A_91 = arith.constant 0 : i32
        %dma_start3A_92 = tpu.memref_slice %arg6[%add3A_29, %dma_start3A_91] : memref<204800x64xf32, #tpu.memory_space<hbm>> -> memref<256x64xf32, #tpu.memory_space<hbm>>
        %dma_start3A_93 = arith.constant 0 : i32
        %dma_start3A_94 = tpu.memref_slice %arg6[%add3A_29, %dma_start3A_93] : memref<204800x64xf32, #tpu.memory_space<hbm>> -> memref<256x64xf32, #tpu.memory_space<hbm>>
        tpu.enqueue_dma source(%arg9 : memref<256x64xf32, #tpu.memory_space<vmem>>) target(%dma_start3A_94 : memref<256x64xf32, #tpu.memory_space<hbm>>) target_semaphore(%run_scoped3A : memref<!tpu.dma_semaphore, #tpu.memory_space<semaphore_mem>>)
        %dma_wait3A_95 = arith.constant 0 : i32
        %dma_wait3A_96 = tpu.memref_slice %arg6[%add3A_29, %dma_wait3A_95] : memref<204800x64xf32, #tpu.memory_space<hbm>> -> memref<256x64xf32, #tpu.memory_space<hbm>>
        %dma_wait3A_97 = arith.constant 0 : i32
        %dma_wait3A_98 = tpu.memref_slice %arg6[%add3A_29, %dma_wait3A_97] : memref<204800x64xf32, #tpu.memory_space<hbm>> -> memref<256x64xf32, #tpu.memory_space<hbm>>
        tpu.wait_dma2 semaphore(%run_scoped3A : memref<!tpu.dma_semaphore, #tpu.memory_space<semaphore_mem>>) src(%arg9 : memref<256x64xf32, #tpu.memory_space<vmem>>) dst(%dma_wait3A_98 : memref<256x64xf32, #tpu.memory_space<hbm>>)
        tpu.yield
      }) : () -> ()
      %scan3A_90 = arith.constant 0 : i32
      scf.yield %scan3A_90 : i32
    }
    %scan3A_24 = arith.constant 25 : i32
    return
  }
}

module attributes {stable_mosaic.version = 14 : i64} {
  func.func @_tc_prologue(%arg0: i32, %arg1: memref<1600x128xf32, #tpu.memory_space<vmem>>, %arg2: memref<128x32xf32, #tpu.memory_space<vmem>>, %arg3: memref<1x32xf32, #tpu.memory_space<vmem>>, %arg4: memref<1x32xf32, #tpu.memory_space<vmem>>, %arg5: memref<64x64xf32, #tpu.memory_space<vmem>>, %arg6: memref<1x64xf32, #tpu.memory_space<vmem>>, %arg7: memref<1600x128xf32, #tpu.memory_space<vmem>>, %arg8: memref<128x64xf32, #tpu.memory_space<vmem>>, %arg9: memref<1x64xf32, #tpu.memory_space<vmem>>) attributes {dimension_semantics = [#tpu.dimension_semantics<arbitrary>], iteration_bounds = array<i64: 1>, scalar_prefetch = 0 : i64, scratch_operands = 0 : i64, tpu.core_type = #tpu.core_type<tc>, window_params = [{pipeline_mode = #tpu.pipeline_mode<synchronous>, transform_indices = @transform_0, window_bounds = array<i64: 1600, 128>}, {pipeline_mode = #tpu.pipeline_mode<synchronous>, transform_indices = @transform_1, window_bounds = array<i64: 128, 32>}, {pipeline_mode = #tpu.pipeline_mode<synchronous>, transform_indices = @transform_2, window_bounds = array<i64: 1, 32>}, {pipeline_mode = #tpu.pipeline_mode<synchronous>, transform_indices = @transform_3, window_bounds = array<i64: 1, 32>}, {pipeline_mode = #tpu.pipeline_mode<synchronous>, transform_indices = @transform_4, window_bounds = array<i64: 64, 64>}, {pipeline_mode = #tpu.pipeline_mode<synchronous>, transform_indices = @transform_5, window_bounds = array<i64: 1, 64>}, {pipeline_mode = #tpu.pipeline_mode<synchronous>, transform_indices = @transform_6, window_bounds = array<i64: 1600, 128>}, {pipeline_mode = #tpu.pipeline_mode<synchronous>, transform_indices = @transform_7, window_bounds = array<i64: 128, 64>}, {pipeline_mode = #tpu.pipeline_mode<synchronous>, transform_indices = @transform_8, window_bounds = array<i64: 1, 64>}]} {
    %get3A = arith.constant 0 : index
    %get3A_0 = arith.constant 0 : index
    %get3A_1 = vector.load %arg2[%get3A, %get3A_0] : memref<128x32xf32, #tpu.memory_space<vmem>>, vector<128x32xf32>
    %mul3A = arith.constant 5.65685415 : f32
    %mul3A_2 = vector.broadcast %mul3A : f32 to vector<128x32xf32>
    %mul3A_3 = arith.mulf %get3A_1, %mul3A_2 : vector<128x32xf32>
    %get3A_4 = arith.constant 32 : index
    %get3A_5 = arith.constant 0 : index
    %get3A_6 = vector.load %arg5[%get3A_4, %get3A_5] : memref<64x64xf32, #tpu.memory_space<vmem>>, vector<32x64xf32>
    %dot_general3A = arith.constant dense<0.000000e+00> : vector<128x64xf32>
    %dot_general3A_7 = tpu.matmul %mul3A_3, %get3A_6, %dot_general3A {dimension_numbers = #tpu.dot_dimension_numbers<[1], [0], [0], [1], [0, 0, 1, 1], [], []>, transpose_lhs_hint = false} : vector<128x32xf32>, vector<32x64xf32>, vector<128x64xf32> -> vector<128x64xf32>
    %get3A_8 = arith.constant 0 : index
    %get3A_9 = arith.constant 0 : index
    %get3A_10 = vector.load %arg4[%get3A_8, %get3A_9] : memref<1x32xf32, #tpu.memory_space<vmem>>, vector<1x32xf32>
    %get3A_11 = arith.constant 0 : index
    %get3A_12 = arith.constant 0 : index
    %get3A_13 = vector.load %arg5[%get3A_11, %get3A_12] : memref<64x64xf32, #tpu.memory_space<vmem>>, vector<32x64xf32>
    %dot_general3A_14 = arith.constant dense<0.000000e+00> : vector<1x64xf32>
    %dot_general3A_15 = tpu.matmul %get3A_10, %get3A_13, %dot_general3A_14 {dimension_numbers = #tpu.dot_dimension_numbers<[1], [0], [0], [1], [0, 0, 1, 1], [], []>, transpose_lhs_hint = false} : vector<1x32xf32>, vector<32x64xf32>, vector<1x64xf32> -> vector<1x64xf32>
    %get3A_16 = arith.constant 0 : index
    %get3A_17 = arith.constant 0 : index
    %get3A_18 = vector.load %arg6[%get3A_16, %get3A_17] : memref<1x64xf32, #tpu.memory_space<vmem>>, vector<1x64xf32>
    %add3A = arith.addf %dot_general3A_15, %get3A_18 : vector<1x64xf32>
    %get3A_19 = arith.constant 0 : index
    %get3A_20 = arith.constant 0 : index
    %get3A_21 = vector.load %arg3[%get3A_19, %get3A_20] : memref<1x32xf32, #tpu.memory_space<vmem>>, vector<1x32xf32>
    %get3A_22 = arith.constant 0 : index
    %get3A_23 = arith.constant 0 : index
    %get3A_24 = vector.load %arg5[%get3A_22, %get3A_23] : memref<64x64xf32, #tpu.memory_space<vmem>>, vector<32x64xf32>
    %dot_general3A_25 = arith.constant dense<0.000000e+00> : vector<1x64xf32>
    %dot_general3A_26 = tpu.matmul %get3A_21, %get3A_24, %dot_general3A_25 {dimension_numbers = #tpu.dot_dimension_numbers<[1], [0], [0], [1], [0, 0, 1, 1], [], []>, transpose_lhs_hint = false} : vector<1x32xf32>, vector<32x64xf32>, vector<1x64xf32> -> vector<1x64xf32>
    %add3A_27 = vector.broadcast %add3A : vector<1x64xf32> to vector<128x64xf32>
    %add3A_28 = arith.addf %dot_general3A_7, %add3A_27 : vector<128x64xf32>
    %mul3A_29 = arith.constant 2.000000e+00 : f32
    %mul3A_30 = vector.broadcast %mul3A_29 : f32 to vector<128x64xf32>
    %mul3A_31 = arith.mulf %mul3A_30, %add3A_28 : vector<128x64xf32>
    %swap3A = arith.constant 0 : index
    %swap3A_32 = arith.constant 0 : index
    %swap3A_33 = vector.load %arg8[%swap3A, %swap3A_32] : memref<128x64xf32, #tpu.memory_space<vmem>>, vector<128x64xf32>
    tpu.vector_store %arg8[%swap3A, %swap3A_32], %mul3A_31 {strides = array<i32>} : memref<128x64xf32, #tpu.memory_space<vmem>>, vector<128x64xf32>,
    %mul3A_34 = arith.constant 2.000000e+00 : f32
    %mul3A_35 = vector.broadcast %mul3A_34 : f32 to vector<1x64xf32>
    %mul3A_36 = arith.mulf %mul3A_35, %dot_general3A_26 : vector<1x64xf32>
    %swap3A_37 = arith.constant 0 : index
    %swap3A_38 = arith.constant 0 : index
    %swap3A_39 = vector.load %arg9[%swap3A_37, %swap3A_38] : memref<1x64xf32, #tpu.memory_space<vmem>>, vector<1x64xf32>
    tpu.vector_store %arg9[%swap3A_37, %swap3A_38], %mul3A_36 {strides = array<i32>} : memref<1x64xf32, #tpu.memory_space<vmem>>, vector<1x64xf32>,
    %get3A_40 = arith.constant 0 : index
    %get3A_41 = arith.constant 0 : index
    %get3A_42 = vector.load %arg1[%get3A_40, %get3A_41] : memref<1600x128xf32, #tpu.memory_space<vmem>>, vector<1600x128xf32>
    %add3A_43 = arith.constant 9.99999993E-9 : f32
    %add3A_44 = vector.broadcast %add3A_43 : f32 to vector<1600x128xf32>
    %add3A_45 = arith.addf %get3A_42, %add3A_44 : vector<1600x128xf32>
    %log3A = math.log %add3A_45 : vector<1600x128xf32>
    %swap3A_46 = arith.constant 0 : index
    %swap3A_47 = arith.constant 0 : index
    %swap3A_48 = vector.load %arg7[%swap3A_46, %swap3A_47] : memref<1600x128xf32, #tpu.memory_space<vmem>>, vector<1600x128xf32>
    tpu.vector_store %arg7[%swap3A_46, %swap3A_47], %log3A {strides = array<i32>} : memref<1600x128xf32, #tpu.memory_space<vmem>>, vector<1600x128xf32>,
    return
  }
  func.func @transform_0(%arg0: i32) -> (i32, i32) {
    %c0_i32 = arith.constant 0 : i32
    %c0_i32_0 = arith.constant 0 : i32
    %c0_i32_1 = arith.constant 0 : i32
    return %c0_i32, %c0_i32_0 : i32, i32
  }
  func.func @transform_1(%arg0: i32) -> (i32, i32) {
    %c0_i32 = arith.constant 0 : i32
    %c0_i32_0 = arith.constant 0 : i32
    %c0_i32_1 = arith.constant 0 : i32
    return %c0_i32, %c0_i32_0 : i32, i32
  }
  func.func @transform_2(%arg0: i32) -> (i32, i32) {
    %c0_i32 = arith.constant 0 : i32
    %c0_i32_0 = arith.constant 0 : i32
    %c0_i32_1 = arith.constant 0 : i32
    return %c0_i32, %c0_i32_0 : i32, i32
  }
  func.func @transform_3(%arg0: i32) -> (i32, i32) {
    %c0_i32 = arith.constant 0 : i32
    %c0_i32_0 = arith.constant 0 : i32
    %c0_i32_1 = arith.constant 0 : i32
    return %c0_i32, %c0_i32_0 : i32, i32
  }
  func.func @transform_4(%arg0: i32) -> (i32, i32) {
    %c0_i32 = arith.constant 0 : i32
    %c0_i32_0 = arith.constant 0 : i32
    %c0_i32_1 = arith.constant 0 : i32
    return %c0_i32, %c0_i32_0 : i32, i32
  }
  func.func @transform_5(%arg0: i32) -> (i32, i32) {
    %c0_i32 = arith.constant 0 : i32
    %c0_i32_0 = arith.constant 0 : i32
    %c0_i32_1 = arith.constant 0 : i32
    return %c0_i32, %c0_i32_0 : i32, i32
  }
  func.func @transform_6(%arg0: i32) -> (i32, i32) {
    %c0_i32 = arith.constant 0 : i32
    %c0_i32_0 = arith.constant 0 : i32
    %c0_i32_1 = arith.constant 0 : i32
    return %c0_i32, %c0_i32_0 : i32, i32
  }
  func.func @transform_7(%arg0: i32) -> (i32, i32) {
    %c0_i32 = arith.constant 0 : i32
    %c0_i32_0 = arith.constant 0 : i32
    %c0_i32_1 = arith.constant 0 : i32
    return %c0_i32, %c0_i32_0 : i32, i32
  }
  func.func @transform_8(%arg0: i32) -> (i32, i32) {
    %c0_i32 = arith.constant 0 : i32
    %c0_i32_0 = arith.constant 0 : i32
    %c0_i32_1 = arith.constant 0 : i32
    return %c0_i32, %c0_i32_0 : i32, i32
  }
}

module attributes {stable_mosaic.version = 14 : i64} {
  func.func @_tc_body(%arg0: i32, %arg1: memref<1x1x8192xf32, #tpu.memory_space<vmem>>, %arg2: memref<1x1x8192xi32, #tpu.memory_space<vmem>>, %arg3: memref<128x32xf32, #tpu.memory_space<vmem>>, %arg4: memref<1x32xf32, #tpu.memory_space<vmem>>, %arg5: memref<1x32xf32, #tpu.memory_space<vmem>>, %arg6: memref<64x64xf32, #tpu.memory_space<vmem>>, %arg7: memref<1x64xf32, #tpu.memory_space<vmem>>, %arg8: memref<8192x64xf32, #tpu.memory_space<vmem>>) attributes {dimension_semantics = [#tpu.dimension_semantics<arbitrary>], iteration_bounds = array<i64: 75>, scalar_prefetch = 0 : i64, scratch_operands = 0 : i64, tpu.core_type = #tpu.core_type<tc>, window_params = [{transform_indices = @transform_0, window_bounds = array<i64: 1, 1, 8192>}, {transform_indices = @transform_1, window_bounds = array<i64: 1, 1, 8192>}, {pipeline_mode = #tpu.pipeline_mode<synchronous>, transform_indices = @transform_2, window_bounds = array<i64: 128, 32>}, {pipeline_mode = #tpu.pipeline_mode<synchronous>, transform_indices = @transform_3, window_bounds = array<i64: 1, 32>}, {pipeline_mode = #tpu.pipeline_mode<synchronous>, transform_indices = @transform_4, window_bounds = array<i64: 1, 32>}, {pipeline_mode = #tpu.pipeline_mode<synchronous>, transform_indices = @transform_5, window_bounds = array<i64: 64, 64>}, {pipeline_mode = #tpu.pipeline_mode<synchronous>, transform_indices = @transform_6, window_bounds = array<i64: 1, 64>}, {transform_indices = @transform_7, window_bounds = array<i64: 8192, 64>}]} {
    %get3A = arith.constant 0 : index
    %get3A_0 = arith.constant 0 : index
    %get3A_1 = vector.load %arg3[%get3A, %get3A_0] : memref<128x32xf32, #tpu.memory_space<vmem>>, vector<128x32xf32>
    %mul3A = arith.constant 5.65685415 : f32
    %mul3A_2 = vector.broadcast %mul3A : f32 to vector<128x32xf32>
    %mul3A_3 = arith.mulf %get3A_1, %mul3A_2 : vector<128x32xf32>
    %get3A_4 = arith.constant 32 : index
    %get3A_5 = arith.constant 0 : index
    %get3A_6 = vector.load %arg6[%get3A_4, %get3A_5] : memref<64x64xf32, #tpu.memory_space<vmem>>, vector<32x64xf32>
    %dot_general3A = arith.constant dense<0.000000e+00> : vector<128x64xf32>
    %dot_general3A_7 = tpu.matmul %mul3A_3, %get3A_6, %dot_general3A {dimension_numbers = #tpu.dot_dimension_numbers<[1], [0], [0], [1], [0, 0, 1, 1], [], []>, transpose_lhs_hint = false} : vector<128x32xf32>, vector<32x64xf32>, vector<128x64xf32> -> vector<128x64xf32>
    %get3A_8 = arith.constant 0 : index
    %get3A_9 = arith.constant 0 : index
    %get3A_10 = vector.load %arg5[%get3A_8, %get3A_9] : memref<1x32xf32, #tpu.memory_space<vmem>>, vector<1x32xf32>
    %get3A_11 = arith.constant 0 : index
    %get3A_12 = arith.constant 0 : index
    %get3A_13 = vector.load %arg6[%get3A_11, %get3A_12] : memref<64x64xf32, #tpu.memory_space<vmem>>, vector<32x64xf32>
    %dot_general3A_14 = arith.constant dense<0.000000e+00> : vector<1x64xf32>
    %dot_general3A_15 = tpu.matmul %get3A_10, %get3A_13, %dot_general3A_14 {dimension_numbers = #tpu.dot_dimension_numbers<[1], [0], [0], [1], [0, 0, 1, 1], [], []>, transpose_lhs_hint = false} : vector<1x32xf32>, vector<32x64xf32>, vector<1x64xf32> -> vector<1x64xf32>
    %get3A_16 = arith.constant 0 : index
    %get3A_17 = arith.constant 0 : index
    %get3A_18 = vector.load %arg7[%get3A_16, %get3A_17] : memref<1x64xf32, #tpu.memory_space<vmem>>, vector<1x64xf32>
    %add3A = arith.addf %dot_general3A_15, %get3A_18 : vector<1x64xf32>
    %get3A_19 = arith.constant 0 : index
    %get3A_20 = arith.constant 0 : index
    %get3A_21 = vector.load %arg4[%get3A_19, %get3A_20] : memref<1x32xf32, #tpu.memory_space<vmem>>, vector<1x32xf32>
    %get3A_22 = arith.constant 0 : index
    %get3A_23 = arith.constant 0 : index
    %get3A_24 = vector.load %arg6[%get3A_22, %get3A_23] : memref<64x64xf32, #tpu.memory_space<vmem>>, vector<32x64xf32>
    %dot_general3A_25 = arith.constant dense<0.000000e+00> : vector<1x64xf32>
    %dot_general3A_26 = tpu.matmul %get3A_21, %get3A_24, %dot_general3A_25 {dimension_numbers = #tpu.dot_dimension_numbers<[1], [0], [0], [1], [0, 0, 1, 1], [], []>, transpose_lhs_hint = false} : vector<1x32xf32>, vector<32x64xf32>, vector<1x64xf32> -> vector<1x64xf32>
    %iota3A = tpu.iota {dimensions = array<i32: 0>} : vector<128x64xi32>
    %eq3A = arith.constant 127 : i32
    %eq3A_27 = vector.broadcast %eq3A : i32 to vector<128x64xi32>
    %eq3A_28 = arith.cmpi eq, %iota3A, %eq3A_27 : vector<128x64xi32>
    %add3A_29 = vector.broadcast %add3A : vector<1x64xf32> to vector<128x64xf32>
    %add3A_30 = arith.addf %dot_general3A_7, %add3A_29 : vector<128x64xf32>
    %broadcast_in_dim3A = vector.shape_cast %dot_general3A_26 : vector<1x64xf32> to vector<1x64xf32>
    %broadcast_in_dim3A_31 = vector.broadcast %broadcast_in_dim3A : vector<1x64xf32> to vector<128x64xf32>
    %select_n3A = arith.select %eq3A_28, %broadcast_in_dim3A_31, %add3A_30 : vector<128x64xi1>, vector<128x64xf32>
    %get3A_32 = arith.constant 0 : index
    %get3A_33 = arith.constant 0 : index
    %get3A_34 = arith.constant 0 : index
    %get3A_35 = vector.load %arg2[%get3A_32, %get3A_33, %get3A_34] : memref<1x1x8192xi32, #tpu.memory_space<vmem>>, vector<1x1x8192xi32>
    %get3A_36 = vector.shape_cast %get3A_35 : vector<1x1x8192xi32> to vector<1x8192xi32>
    %get3A_37 = arith.constant 0 : index
    %get3A_38 = arith.constant 0 : index
    %get3A_39 = arith.constant 0 : index
    %get3A_40 = vector.load %arg1[%get3A_37, %get3A_38, %get3A_39] : memref<1x1x8192xf32, #tpu.memory_space<vmem>>, vector<1x1x8192xf32>
    %get3A_41 = vector.shape_cast %get3A_40 : vector<1x1x8192xf32> to vector<1x8192xf32>
    %add3A_42 = arith.constant 9.99999993E-9 : f32
    %add3A_43 = vector.broadcast %add3A_42 : f32 to vector<1x8192xf32>
    %add3A_44 = arith.addf %get3A_41, %add3A_43 : vector<1x8192xf32>
    %log3A = math.log %add3A_44 : vector<1x8192xf32>
    %iota3A_45 = tpu.iota {dimensions = array<i32: 0>} : vector<128x8192xi32>
    %eq3A_46 = vector.broadcast %get3A_36 : vector<1x8192xi32> to vector<128x8192xi32>
    %eq3A_47 = arith.cmpi eq, %iota3A_45, %eq3A_46 : vector<128x8192xi32>
    %convert_element_type3A = arith.extui %eq3A_47 : vector<128x8192xi1> to vector<128x8192xi32>
    %convert_element_type3A_48 = arith.sitofp %convert_element_type3A : vector<128x8192xi32> to vector<128x8192xf32>
    %eq3A_49 = arith.constant 127 : i32
    %eq3A_50 = vector.broadcast %eq3A_49 : i32 to vector<128x8192xi32>
    %eq3A_51 = arith.cmpi eq, %iota3A_45, %eq3A_50 : vector<128x8192xi32>
    %broadcast_in_dim3A_52 = vector.shape_cast %log3A : vector<1x8192xf32> to vector<1x8192xf32>
    %broadcast_in_dim3A_53 = vector.broadcast %broadcast_in_dim3A_52 : vector<1x8192xf32> to vector<128x8192xf32>
    %select_n3A_54 = arith.select %eq3A_51, %broadcast_in_dim3A_53, %convert_element_type3A_48 : vector<128x8192xi1>, vector<128x8192xf32>
    %dot_general3A_55 = arith.constant dense<0.000000e+00> : vector<8192x64xf32>
    %dot_general3A_56 = tpu.matmul %select_n3A_54, %select_n3A, %dot_general3A_55 {dimension_numbers = #tpu.dot_dimension_numbers<[0], [0], [1], [1], [0, 1, 1, 1], [], []>, transpose_lhs_hint = false} : vector<128x8192xf32>, vector<128x64xf32>, vector<8192x64xf32> -> vector<8192x64xf32>
    %tanh3A = math.tanh %dot_general3A_56 : vector<8192x64xf32>
    %swap3A = arith.constant 0 : index
    %swap3A_57 = arith.constant 0 : index
    %swap3A_58 = vector.load %arg8[%swap3A, %swap3A_57] : memref<8192x64xf32, #tpu.memory_space<vmem>>, vector<8192x64xf32>
    tpu.vector_store %arg8[%swap3A, %swap3A_57], %tanh3A {strides = array<i32>} : memref<8192x64xf32, #tpu.memory_space<vmem>>, vector<8192x64xf32>,
    return
  }
  func.func @transform_0(%arg0: i32) -> (i32, i32, i32) {
    %c0_i32 = arith.constant 0 : i32
    %c0_i32_0 = arith.constant 0 : i32
    %c0_i32_1 = arith.constant 0 : i32
    return %arg0, %c0_i32, %c0_i32_0 : i32, i32, i32
  }
  func.func @transform_1(%arg0: i32) -> (i32, i32, i32) {
    %c0_i32 = arith.constant 0 : i32
    %c0_i32_0 = arith.constant 0 : i32
    %c0_i32_1 = arith.constant 0 : i32
    return %arg0, %c0_i32, %c0_i32_0 : i32, i32, i32
  }
  func.func @transform_2(%arg0: i32) -> (i32, i32) {
    %c0_i32 = arith.constant 0 : i32
    %c0_i32_0 = arith.constant 0 : i32
    %c0_i32_1 = arith.constant 0 : i32
    return %c0_i32, %c0_i32_0 : i32, i32
  }
  func.func @transform_3(%arg0: i32) -> (i32, i32) {
    %c0_i32 = arith.constant 0 : i32
    %c0_i32_0 = arith.constant 0 : i32
    %c0_i32_1 = arith.constant 0 : i32
    return %c0_i32, %c0_i32_0 : i32, i32
  }
  func.func @transform_4(%arg0: i32) -> (i32, i32) {
    %c0_i32 = arith.constant 0 : i32
    %c0_i32_0 = arith.constant 0 : i32
    %c0_i32_1 = arith.constant 0 : i32
    return %c0_i32, %c0_i32_0 : i32, i32
  }
  func.func @transform_5(%arg0: i32) -> (i32, i32) {
    %c0_i32 = arith.constant 0 : i32
    %c0_i32_0 = arith.constant 0 : i32
    %c0_i32_1 = arith.constant 0 : i32
    return %c0_i32, %c0_i32_0 : i32, i32
  }
  func.func @transform_6(%arg0: i32) -> (i32, i32) {
    %c0_i32 = arith.constant 0 : i32
    %c0_i32_0 = arith.constant 0 : i32
    %c0_i32_1 = arith.constant 0 : i32
    return %c0_i32, %c0_i32_0 : i32, i32
  }
  func.func @transform_7(%arg0: i32) -> (i32, i32) {
    %c0_i32 = arith.constant 0 : i32
    %c0_i32_0 = arith.constant 0 : i32
    return %arg0, %c0_i32 : i32, i32
  }
}

</mosaic_0001>

<sc_bundles>
// kernel: kernel.5.cloned.1.call-start
scs
__scs_entry_jumppad:
0x0: {  	(pc) =	sbr.rel $0x88, $3  }
0x1: {  	(tag) =	ssettag $0x0;
	lr =	simm.s32 $0x1  }
0x2: {  	[smem:$0x3F9A] =	sst lr;
	_ =	strace $0xD0000000  }
0x3: {  	_ = 	snop  }
0x4: {  	_ = 	snop  }
0x5: {  	_ = 	snop  }
0x6: {  	_ = 	snop  }
0x7: {  	_ = 	snop  }
__scs_overlays_trampoline_lowered:
0x8: {  	[smem:$0x3FA9] =	sst s0  }
0x9: {  	[smem:$0x3FAA] =	sst s1  }
0xa: {  	[smem:$0x3FAB] =	sst s2  }
0xb: {  	[smem:$0x3FAC] =	sst s3  }
0xc: {  	[smem:$0x3FAD] =	sst s4  }
0xd: {  	[smem:$0x3FAE] =	sst s5  }
0xe: {  	[smem:$0x3FAF] =	sst s6  }
0xf: {  	[smem:$0x3FB0] =	sst s7  }
0x10: {  	[smem:$0x3FB1] =	sst s8  }
0x11: {  	[smem:$0x3FB2] =	sst s9;
	s0 =	simm.s32 @!p0 $0x0  }
0x12: {  	s1 =	sld [smem:$0x3F98];
	s0 =	simm.s32 @p0 $0x1  }
0x13: {  	[smem:$0x3FB3] =	sst s0;
	s0 =	simm.s32 @!p1 $0x0  }
0x14: {  	s2 =	sld [smem:$0x3F97];
	s0 =	simm.s32 @p1 $0x1  }
0x15: {  	[smem:$0x3FB4] =	sst s0;
	s0 =	simm.s32 @!p2 $0x0  }
0x16: {  	s3 =	sld [smem:$0x3FDB];
	s0 =	simm.s32 @p2 $0x1  }
0x17: {  	s4 =	simm.s32 $0x1BF5;
	[smem:$0x3FB6] =	sst s0  }
0x18: {  	s0 =	sld [smem:$0x3F99];
	_ =	swait.ge [sflag:s4], $0x0  }
0x19: {  	s7 =	sld [smem:$0x3F9A]  }
0x1a: {  	s8 =	sadd.s32 $0xFFFFE003, lr  }
0x1b: {  	s9 =	sadd.s32 $0xFFFFFEF7, lr;
	s5 =	simm.s32 $0xFFFFFFFF;
	p2 =	slt.u32 s8, $0xFFFFF086  }
0x1c: {  	p1 =	slt.u32 s9, $0xF7A;
	s5 =	simm.s32 @!p2 $0x0  }
0x1d: {  	s5 =	simm.s32 @p1 $0x1;
	p0 =	seq.s32 s7, s2  }
0x1e: {  	s7 =	smul.u32 @!p0 $0xF7A, s2;
	p2 =	seq.s32 @!p0 s5, $0x0  }
0x1f: {  	s9 =	smul.u32 $0xF7A, s1;
	s8 =	simm.s32 @!p0 $0x1BF5;
	p2 =	por !p2, p0  }
0x20: {  	[sflag:s8] =	ssyncset.s32 @!p0 $0xFFFFF086;
	s6 =	sadd.s32 @!p0 s3, s7;
	s7 =	simm.s32 @!p0 $0x108  }
0x21: {  	s3 =	sadd.s32 s3, s9;
	s6 =	sadd.s32 @!p0 $0x88, s6;
	s7 =	simm.s32 @p2 $0x1082  }
0x22: {  	[simem:s7], [sflag:s8] =	dma.local @!p0 [hbm:s6], $0xF7A  }
0x23: {  	s9 =	sor.u32 $0xD0000000, s2;
	s6 =	simm.s32 $0x108;
	_ =	swait.ge @!p0 [sflag:s8], $0x0  }
0x24: {  	s3 =	sadd.s32 $0x88, s3;
	s6 =	simm.s32 @!p1 $0x1082;
	[sflag:s4] =	ssyncset.s32 $0xFFFFF086  }
0x25: {  	[simem:s6], [sflag:s4] =	dma.local [hbm:s3], $0xF7A  }
0x26: {  	[smem:$0x3F9A] =	sst s1;
	(tag) =	ssettag s2;
	_ =	strace s9  }
0x27: {  	s1 =	sld [smem:$0x3FAA]  }
0x28: {  	s2 =	sld [smem:$0x3FAB]  }
0x29: {  	s4 =	sld [smem:$0x3FAD]  }
0x2a: {  	p0 =	seq.s32 s5, $0x0;
	s5 =	sld [smem:$0x3FAE]  }
0x2b: {  	s6 =	sld [smem:$0x3FAF]  }
0x2c: {  	s7 =	sld [smem:$0x3FB0]  }
0x2d: {  	s3 =	simm.s32 $0x108;
	s8 =	sld [smem:$0x3FB1]  }
0x2e: {  	s3 =	simm.s32 @!p0 $0x1082;
	s9 =	sld [smem:$0x3FB2]  }
0x2f: {  	lr =	sadd.s32 s0, s3;
	s0 =	sld [smem:$0x3FA9]  }
0x30: {  	s3 =	sld [smem:$0x3FAC]  }
0x31: {  	[smem:$0x3FB5] =	sst s10  }
0x32: {  	s10 =	sld [smem:$0x3FB3];
	_ =	sdelay $0x3  }
0x33: {  	p0 =	seq.s32 s10, $0x1;
	s10 =	sld [smem:$0x3FB5];
	_ =	sdelay $0x3  }
0x34: {  	[smem:$0x3FB5] =	sst s10  }
0x35: {  	s10 =	sld [smem:$0x3FB4];
	_ =	sdelay $0x3  }
0x36: {  	p1 =	seq.s32 s10, $0x1;
	s10 =	sld [smem:$0x3FB5];
	_ =	sdelay $0x3  }
0x37: {  	[smem:$0x3FB5] =	sst s10  }
0x38: {  	s10 =	sld [smem:$0x3FB6]  }
0x39: {  	_ = 	snop;
	(pc) =	sbr.ind lr, $3  }
0x3a: {  	_ = 	snop  }
0x3b: {  	_ = 	snop  }
0x3c: {  	p2 =	seq.s32 s10, $0x1;
	s10 =	sld [smem:$0x3FB5]  }
0x3d: {  	_ =	shalt  }
0x3e: {  	_ =	shalt  }
0x3f: {  	_ =	shalt  }
0x40: {  	_ =	shalt  }
0x41: {  	_ =	shalt  }
0x42: {  	_ =	shalt  }
0x43: {  	_ =	shalt  }
0x44: {  	_ =	shalt  }
0x45: {  	_ =	shalt  }
0x46: {  	_ =	shalt  }
0x47: {  	_ =	shalt  }
0x48: {  	_ =	shalt  }
0x49: {  	_ =	shalt  }
0x4a: {  	_ =	shalt  }
0x4b: {  	_ =	shalt  }
0x4c: {  	_ =	shalt  }
0x4d: {  	_ =	shalt  }
0x4e: {  	_ =	shalt  }
0x4f: {  	_ =	shalt  }
0x50: {  	_ =	shalt  }
0x51: {  	_ =	shalt  }
0x52: {  	_ =	shalt  }
0x53: {  	_ =	shalt  }
0x54: {  	_ =	shalt  }
0x55: {  	_ =	shalt  }
0x56: {  	_ =	shalt  }
0x57: {  	_ =	shalt  }
0x58: {  	_ =	shalt  }
0x59: {  	_ =	shalt  }
0x5a: {  	_ =	shalt  }
0x5b: {  	_ =	shalt  }
0x5c: {  	_ =	shalt  }
0x5d: {  	_ =	shalt  }
0x5e: {  	_ =	shalt  }
0x5f: {  	_ =	shalt  }
0x60: {  	_ =	shalt  }
0x61: {  	_ =	shalt  }
0x62: {  	_ =	shalt  }
0x63: {  	_ =	shalt  }
0x64: {  	_ =	shalt  }
0x65: {  	_ =	shalt  }
0x66: {  	_ =	shalt  }
0x67: {  	_ =	shalt  }
0x68: {  	_ =	shalt  }
0x69: {  	_ =	shalt  }
0x6a: {  	_ =	shalt  }
0x6b: {  	_ =	shalt  }
0x6c: {  	_ =	shalt  }
0x6d: {  	_ =	shalt  }
0x6e: {  	_ =	shalt  }
0x6f: {  	_ =	shalt  }
0x70: {  	_ =	shalt  }
0x71: {  	_ =	shalt  }
0x72: {  	_ =	shalt  }
0x73: {  	_ =	shalt  }
0x74: {  	_ =	shalt  }
0x75: {  	_ =	shalt  }
0x76: {  	_ =	shalt  }
0x77: {  	_ =	shalt  }
0x78: {  	_ =	shalt  }
0x79: {  	_ =	shalt  }
0x7a: {  	_ =	shalt  }
0x7b: {  	_ =	shalt  }
0x7c: {  	_ =	shalt  }
0x7d: {  	_ =	shalt  }
0x7e: {  	_ =	shalt  }
0x7f: {  	_ =	shalt  }
0x80: {  	_ =	shalt  }
0x81: {  	_ =	shalt  }
0x82: {  	_ =	shalt  }
0x83: {  	_ =	shalt  }
0x84: {  	_ =	shalt  }
0x85: {  	_ =	shalt  }
0x86: {  	_ =	shalt  }
0x87: {  	_ =	shalt  }
.Lfunc_end0:
.L_simem_size_0:
called_computation.1_lowered:
.L_overlay_start_0:
0x88: {  	s2 =	sld [smem:$0x3FD9]  }
0x89: {  	s3 =	sld [smem:$0x3FFE];
	_ =	sdelay $0x1  }
0x8a: {  	s1 =	srdreg.scid  }
0x8b: {  	s0 =	sand.u32 $0x1, s1  }
0x8c: {  	s17 =	sshll.u32 s0, $0xA;
	s2 =	sadd.s32 s3, s2  }
0x8d: {  	s2 =	sadd.s32 s2, s17  }
0x8e: {  	[smem:$0x3FC1] =	sst s2  }
0x8f: {  	_ = 	snop  }
0x90: {  	s2 =	sld [smem:$0x3FD0];
	(tm) =	ssettm $0x1  }
0x91: {  	s18 =	sld [smem:$0x3FFB];
	_ =	sdelay $0x3  }
0x92: {  	_ =	strace s18  }
0x93: {  	s3 =	sld [smem:$0x3FFC];
	_ =	sdelay $0x3  }
0x94: {  	_ =	strace s3  }
0x95: {  	s3 =	sld [smem:$0x3FFD];
	_ =	sdelay $0x3  }
0x96: {  	_ =	strace s3  }
0x97: {  	_ =	strace $0x8FFFFFFF  }
0x98: {  	s19 =	sld [smem:$0x3FDB];
	_ =	sdelay $0x1  }
0x99: {  	s4 =	simm.s32 $_scs_section_size  }
0x9a: {  	s5 =	simm.s32 $_size__tile_overlayer_lowered;
	s6 =	simm.s32 $_tile_overlayer_lowered  }
0x9b: {  	s22 =	simm.s32 $0x1BFF;
	s21 =	sshll.u32 s6, $0x1;
	s3 =	sadd.s32 s4, s19  }
0x9c: {  	s7 =	simm.s32 $0x0;
	s20 =	sshll.u32 s5, $0x1;
	s5 =	sadd.s32 s21, s3  }
0x9d: {  	[timem:s7], [sflag:s22] =	dma.local [hbm:s5], s20  }
0x9e: {  	_ =	swait.ge [sflag:s22], s20  }
0x9f: {  	s4 =	ssub.s32 $0x0, s20;
	[sflag:s22] =	ssyncset.done $0x0  }
0xa0: {  	[sflag:s22] =	ssyncadd.s32 s4;
	_ =	sdelay $0x1  }
0xa1: {  	s23 =	simm.s32 $0x1B8B  }
0xa2: {  	_ =	swait.ge [sflag:s23], $0x1  }
0xa3: {  	[sflag:s23] =	ssyncset.done $0x0  }
0xa4: {  	s25 =	simm.s32 $0x1B8E;
	s24 =	sld [smem:$0x3FFE];
	[sflag:s23] =	ssyncadd.s32 $0xFFFFFFFF  }
0xa5: {  	s26 =	simm.s32 $execute0_lowered;
	[smem:$0x3FD2] =	sst s25  }
0xa6: {  	s5 =	sshll.u32 s26, $0x1;
	_ =	strace $0x80000046;
	[dreg:$0x1] =	wrdreg $0xFFFFFFFF  }
0xa7: {  	s28 =	simm.s32 $_size_execute0_lowered;
	s3 =	sadd.s32 s3, s5;
	[dreg:$0x0] =	wrdreg $0x0  }
0xa8: {  	s5 =	sshll.u32 s28, $0x1;
	[dreg:$0x2] =	wrdreg s3  }
0xa9: {  	[dreg:$0x3] =	wrdreg s5  }
0xaa: {  	[dreg:$0x4] =	wrdreg $0xC0  }
0xab: {  	_ =	task [dreg:s7], $0x5FFFF  }
0xac: {  	[dreg:$0x1] =	wrdreg $0xFFFFFFFF  }
0xad: {  	[dreg:$0x0] =	wrdreg $0x60  }
0xae: {  	[dreg:$0x2] =	wrdreg s2  }
0xaf: {  	[dreg:$0x3] =	wrdreg s24  }
0xb0: {  	[dreg:$0x4] =	wrdreg $0x9  }
0xb1: {  	_ =	task.clear_ibuf [dreg:s7], $0x5FFFF;
	_ =	strace $0x90000046  }
0xb2: {  	s29 =	simm.s32 $0x9;
	_ =	strace $0x80000048  }
0xb3: {  	_ =	swait.ge [sflag:s29], $0x1  }
0xb4: {  	[sflag:s29] =	ssyncadd.s32 $0xFFFFFFFF  }
0xb5: {  	_ =	strace $0x90000048  }
0xb6: {  	_ =	sfence  }
0xb7: {  	s30 =	sld [smem:$0x0];
	_ =	sdelay $0x2  }
0xb8: {  	s31 =	sshll.u32 s1, $0xD;
	s1 =	sshrl.u32 s1, $0x2  }
0xb9: {  	s3 =	sand.u32 $0x4000, s31;
	s1 =	sadd.s32 s1, s30  }
0xba: {  	s0 =	sor.u32 s3, s0;
	s1 =	sshll.u32 s1, $0x11  }
0xbb: {  	s0 =	sor.u32 s1, s0  }
0xbc: {  	s0 =	sadd.s32 $0x8F2B, s0  }
0xbd: {  	[sflag:s0] =	ssyncadd.remote.s32 $0x1  }
0xbe: {  	_ =	sfence.sel $0xFFFF  }
0xbf: {  	[dreg:$0x0] =	wrdreg $0xFFFFFFFF;
	(pc) =	sbr.abs _section_cstart, $3  }
0xc0: {  	[dreg:$0x1] =	wrdreg $0xFFFFFFFF  }
0xc1: {  	_ =	task.clear_ibuf [dreg:s7], $0x2FFFF;
	_ =	strace $0x9FFFFFFF  }
0xc2: {  	(tm) =	ssettm $0x7FFFFFFF  }
0xc3: {  	_ =	shalt  }
tec
execute0_lowered:
.L_overlay_start_1:
0x0: {  	(tag) =	ssettag $0x1  }
0x1: {  	s1 =	rddreg [dreg:$0x0]  }
0x2: {  	s7 =	rddreg [dreg:$0x1]  }
0x3: {  	s0 =	rddreg [dreg:$0x2];
	s2 =	simm.s32 $0x0  }
0x4: {  	s5 =	srdreg.scid;
	s3 =	stileid.u32;
	s12 =	simm.s32 $0x100  }
0x5: {  	s13 =	simm.s32 $0x80;
	s14 =	simm.s32 $0x200;
	s15 =	simm.s32 $0x2200  }
0x6: {  	s16 =	simm.s32 $0x1;
	s17 =	simm.s32 $0x0;
	[smem:$0x7FF] =	sst s2  }
0x7: {  	s4 =	sadd.s32 $0x2800, s7;
	s8 =	sand.u32 $0x1, s5;
	s5 =	sadd.s32 $0x2200, s7  }
0x8: {  	s10 =	sshll.u32 s3, $0x1;
	s6 =	sadd.s32 $0x2400, s7;
	s9 =	ssub.s32 $0x2, s8  }
0x9: {  	s7 =	sadd.s32 $0x8C00, s7;
	_ =	strace $0x80000047;
	s11 =	sshrl.u32 s9, $0x1  }
0xa: {  	v0 =	vimm.s32 $0x0;
	vm0 =	vcmask $0x300;
	s8 =	sor.u32 s8, s10;
	s10 =	simm.s32 $0x4200;
	s9 =	ssub.s32 s9, s11  }
0xb: {  	v53 =	vsel vm0, $0x3, v0;
	s8 =	smul.u32 $0x1900, s8;
	s11 =	simm.s32 $0x2;
	s9 =	smax.u32 s9, $0x1  }
.LBB2_1:
0xc: {  	[tilespmem:s10], [sflag:$0x2] =	stream.linear.gather [hbm4b:s5+s2], $0x40, $0x38;
	[tilespmem:$0x4240] =	vst v63  }
0xd: {  	_ =	swait.ge [sflag:s11], $0x40  }
0xe: {  	[sflag:s11] =	ssyncset.done $0x0  }
0xf: {  	[sflag:s11] =	ssyncadd.s32 $0xFFFFFFC0  }
0x10: {  	v0 =	vld [tilespmem:$0x4200]  }
0x11: {  	v62 =	vld [tilespmem:$0x4210]  }
0x12: {  	v63 =	vld [tilespmem:$0x4220];
	_ =	sdelay $0x2  }
0x13: {  	[tilespmem:$0x1FFD0] =	vst v0  }
0x14: {  	[tilespmem:$0x1FFE0] =	vst v62  }
0x15: {  	s18 =	simm.s32 $0x0;
	v4 =	vld [tilespmem:$0x4230];
	[tilespmem:$0x1FFF0] =	vst v63  }
.LBB2_2:
0x16: {  	s19 =	sshll.u32 s18, $0x8  }
0x17: {  	s19 =	sadd.s32 s8, s19  }
0x18: {  	s20 =	sshrl.u32 s19, $0x3  }
0x19: {  	s22 =	simm.s32 $0x0;
	s21 =	sadd.s32 s4, s20  }
0x1a: {  	[tilespmem:s22], [sflag:$0x2] =	stream.linear.gather [hbm4b:s21+s22], $0x100, $0x38;
	[tilespmem:$0x4240] =	vst v63  }
0x1b: {  	_ =	swait.ge [sflag:s11], $0x100  }
0x1c: {  	[sflag:s11] =	ssyncset.done $0x0  }
0x1d: {  	s20 =	sadd.s32 s1, s20;
	[sflag:s11] =	ssyncadd.s32 $0xFFFFFF00  }
0x1e: {  	[tilespmem:s12], [sflag:$0x2] =	stream.linear.gather [hbm4b:s20+s22], $0x100, $0x38;
	[tilespmem:$0x4240] =	vst v63  }
0x1f: {  	_ =	swait.ge [sflag:s11], $0x100  }
0x20: {  	s28 =	simm.s32 $0x1;
	s29 =	simm.s32 $0x2;
	[sflag:s11] =	ssyncset.done $0x0  }
0x21: {  	s31 =	simm.s32 $0x4;
	s23 =	simm.s32 $0x7;
	v5 =	vmov s22;
	v6 =	vmov s28;
	[sflag:s11] =	ssyncadd.s32 $0xFFFFFF00  }
0x22: {  	v7 =	vmov s29;
	v9 =	vmov s31;
	[tilespmem:s14], [sflag:$0x1] =	stream.indirect.gather [hbm4b:s6+s13], $0x40, s22, s13, $0xb8;
	[tilespmem:$0x4240] =	vst v63  }
0x23: {  	v12 =	vmov s23;
	v5 =	vshrl.u32 v5, $0x3;
	v6 =	vshrl.u32 v6, $0x3  }
0x24: {  	v7 =	vshrl.u32 v7, $0x3;
	v9 =	vshrl.u32 v9, $0x3;
	v5 =	vshll.u32 v5, v53;
	[tilespmem:s15], [sflag:$0x1] =	stream.indirect.gather [hbm4b:s6+s13], $0x40, s13, s13, $0xb8;
	[tilespmem:$0x4240] =	vst v63  }
0x25: {  	v12 =	vshrl.u32 v12, $0x3;
	v6 =	vshll.u32 v6, v53;
	s21 =	simm.s32 $0x5;
	v5 =	vbroadcast v5, $0x0;
	_ =	swait.ge [sflag:s16], $0x2000  }
0x26: {  	v7 =	vshll.u32 v7, v53;
	v6 =	vadd.s32 $0x1, v6;
	v10 =	vmov s21;
	[sflag:s16] =	ssyncset.done $0x0  }
0x27: {  	v9 =	vshll.u32 v9, v53;
	v6 =	vbroadcast v6, $0x0;
	v10 =	vshrl.u32 v10, $0x3;
	[sflag:s16] =	ssyncadd.s32 $0xFFFFE000  }
0x28: {  	v7 =	vadd.s32 $0x2, v7;
	v9 =	vadd.s32 $0x4, v9;
	v10 =	vshll.u32 v10, v53;
	_ =	swait.ge [sflag:s16], $0x2000  }
0x29: {  	v7 =	vbroadcast v7, $0x0;
	v13 =	vbroadcast v9, $0x0;
	v9 =	vadd.s32 $0x5, v10;
	s22 =	simm.s32 $0x6;
	[sflag:s16] =	ssyncset.done $0x0;
	v0 =	vld [tilespmem:$0x1FFD0]  }
0x2a: {  	s30 =	simm.s32 $0x3;
	v10 =	vshll.u32 v12, v53;
	v12 =	vbroadcast v9, $0x0;
	v11 =	vmov s22;
	v1 =	vld [tilespmem:$0x1FFE0];
	[sflag:s16] =	ssyncadd.s32 $0xFFFFE000  }
0x2b: {  	v8 =	vmov s30;
	v11 =	vshrl.u32 v11, $0x3;
	v5 =	vld.idx.msk [tilespmem:v5+s12+$0x0], $0xffff  }
0x2c: {  	v8 =	vshrl.u32 v8, $0x3;
	v9 =	vadd.s32 $0x7, v10;
	v11 =	vshll.u32 v11, v53;
	v2 =	vld [tilespmem:$0x1FFF0]  }
0x2d: {  	v8 =	vshll.u32 v8, v53;
	v10 =	vadd.s32 $0x6, v11;
	v11 =	vbroadcast v9, $0x0;
	v6 =	vld.idx.msk [tilespmem:v6+s12+$0x0], $0xffff  }
0x2e: {  	v8 =	vadd.s32 $0x3, v8;
	v10 =	vbroadcast v10, $0x0  }
0x2f: {  	v8 =	vbroadcast v8, $0x0;
	v7 =	vld.idx.msk [tilespmem:v7+s12+$0x0], $0xffff  }
0x30: {  	s20 =	simm.s32 $0x300;
	v12 =	vld.idx.msk [tilespmem:v12+s12+$0x0], $0xffff;
	v16 =	vmul.f32 v5, v0;
	v17 =	vmul.f32 v5, v1  }
0x31: {  	v32 =	vld [tilespmem:s20+$0xFFFFFF00];
	v18 =	vmul.f32 v5, v2;
	v9 =	vmul.f32 v5, v4  }
0x32: {  	v44 =	vld [tilespmem:s20+$0xFFFFFF60];
	v19 =	vmul.f32 v6, v0;
	v20 =	vmul.f32 v6, v1  }
0x33: {  	v11 =	vld.idx.msk [tilespmem:v11+s12+$0x0], $0xffff;
	v21 =	vmul.f32 v6, v2;
	v22 =	vmul.f32 v6, v4  }
0x34: {  	v27 =	vld.idx.msk [tilespmem:v10+s12+$0x0], $0xffff;
	v23 =	vmul.f32 v7, v0;
	v24 =	vmul.f32 v7, v1  }
0x35: {  	v52 =	vld [tilespmem:s20+$0xFFFFFFB0];
	v25 =	vmul.f32 v7, v2;
	v26 =	vmul.f32 v7, v4  }
0x36: {  	s24 =	simm.s32 $0x8;
	v10 =	vld [tilespmem:s20+$0xF0];
	v39 =	vmul.f32 v12, v0;
	v41 =	vmul.f32 v12, v1  }
0x37: {  	s26 =	simm.s32 $0xA;
	v5 =	vld.idx.msk [tilespmem:v8+s12+$0x0], $0xffff;
	v6 =	vmov s24;
	v42 =	vmul.f32 v12, v2;
	v45 =	vmul.f32 v12, v4  }
0x38: {  	v8 =	vld.idx.msk [tilespmem:v13+s12+$0x0], $0xffff;
	v7 =	vmov s26;
	v13 =	vmul.f32 v11, v4;
	v15 =	vmul.f32 v11, v0  }
0x39: {  	v14 =	vmul.f32 v11, v1;
	v7 =	vshrl.u32 v7, $0x3;
	v49 =	vmul.f32 v27, v0  }
0x3a: {  	v35 =	vld [tilespmem:s20+$0xFFFFFF10];
	v16 =	vadd.f32 v16, v32;
	v50 =	vmul.f32 v27, v1;
	v51 =	vmul.f32 v27, v2  }
0x3b: {  	v37 =	vld [tilespmem:s20+$0xFFFFFF20];
	v27 =	vmul.f32 v27, v4;
	v21 =	vadd.f32 v44, v21;
	v26 =	vadd.f32 v52, v26  }
0x3c: {  	v40 =	vld [tilespmem:s20+$0xFFFFFF40];
	v7 =	vshll.u32 v7, v53;
	v10 =	vadd.f32 v10, v13;
	v13 =	vmul.f32 v11, v2  }
0x3d: {  	v43 =	vld [tilespmem:s20+$0xFFFFFF50];
	v7 =	vadd.s32 $0x2, v7;
	v16 =	vmin.f32 v16, $6.000000000e+01;
	v21 =	vmin.f32 v21, $6.000000000e+01  }
0x3e: {  	v48 =	vld [tilespmem:s20+$0xFFFFFF80];
	v26 =	vmin.f32 v26, $6.000000000e+01;
	v28 =	vmul.f32 v5, v0;
	v29 =	vmul.f32 v5, v1  }
0x3f: {  	v12 =	vld [tilespmem:s20+$0xFFFFFF70];
	v30 =	vmul.f32 v5, v2;
	v31 =	vmul.f32 v5, v4;
	v11 =	vmin.f32 v10, $6.000000000e+01  }
0x40: {  	s25 =	simm.s32 $0x9;
	v54 =	vld [tilespmem:s20+$0xFFFFFFC0];
	v5 =	vshrl.u32 v6, $0x3;
	v10 =	vadd.f32 v35, v17;
	v17 =	vmul.f32 $1.442695020e+00, v11  }
0x41: {  	v55 =	vld [tilespmem:s20+$0x0];
	v33 =	vmul.f32 v8, v0;
	v34 =	vmul.f32 v8, v1;
	v6 =	vmov s25  }
0x42: {  	v36 =	vmul.f32 v8, v2;
	(erf) = vpow2.f32 v17;
	v17 =	vadd.f32 v43, v20;
	v20 =	vld [tilespmem:s20+$0xFFFFFFA0]  }
0x43: {  	v38 =	vmul.f32 v8, v4;
	v11 =	vadd.f32 v37, v18;
	v18 =	vadd.f32 v19, v40  }
0x44: {  	v22 =	vadd.f32 v12, v22;
	v12 =	vmul.f32 $1.442695020e+00, v16;
	v21 =	vmul.f32 $1.442695020e+00, v21;
	v19 =	vld [tilespmem:s20+$0xFFFFFF90]  }
0x45: {  	v26 =	vmul.f32 $1.442695020e+00, v26;
	v5 =	vshll.u32 v5, v53;
	v18 =	vmin.f32 v18, $6.000000000e+01  }
0x46: {  	v28 =	vadd.f32 v28, v54;
	v16 =	vmul.f32 $1.442695020e+00, v18;
	v18 =	vadd.f32 v23, v48;
	v23 =	vld [tilespmem:s20+$0xFFFFFFD0]  }
0x47: {  	s28 =	simm.s32 $0xB;
	v22 =	vmin.f32 v22, $6.000000000e+01;
	v32 =	vadd.f32 v33, v55;
	v20 =	vadd.f32 v20, v25;
	v25 =	vld [tilespmem:s20+$0xFFFFFFF0]  }
0x48: {  	v8 =	vmov s28;
	v5 =	vbroadcast v5, $0x0;
	v22 =	vmul.f32 $1.442695020e+00, v22  }
0x49: {  	v28 =	vmin.f32 v28, $6.000000000e+01;
	v32 =	vmin.f32 v32, $6.000000000e+01;
	v19 =	vadd.f32 v19, v24;
	v24 =	vld [tilespmem:s20+$0xFFFFFFE0]  }
0x4a: {  	v17 =	vmin.f32 v17, $6.000000000e+01;
	v28 =	vmul.f32 $1.442695020e+00, v28;
	v32 =	vmul.f32 $1.442695020e+00, v32  }
0x4b: {  	v17 =	vmul.f32 $1.442695020e+00, v17;
	v18 =	vmin.f32 v18, $6.000000000e+01;
	v23 =	vadd.f32 v23, v29;
	v29 =	vpop (erf)  }
0x4c: {  	v19 =	vmin.f32 v19, $6.000000000e+01;
	v25 =	vadd.f32 v25, v31;
	v31 =	vadd.f32 $1.000000000e+00, v29  }
0x4d: {  	v56 =	vld [tilespmem:s20+$0x10];
	v6 =	vshrl.u32 v6, $0x3;
	v18 =	vmul.f32 $1.442695020e+00, v18;
	v19 =	vmul.f32 $1.442695020e+00, v19  }
0x4e: {  	v20 =	vmin.f32 v20, $6.000000000e+01;
	v24 =	vadd.f32 v24, v30;
	v30 =	vld [tilespmem:s20+$0x20];
	(erf) = vrcp.f32 v31  }
0x4f: {  	v57 =	vld [tilespmem:s20+$0x30];
	v20 =	vmul.f32 $1.442695020e+00, v20;
	v23 =	vmin.f32 v23, $6.000000000e+01;
	(erf) = vpow2.f32 v16  }
0x50: {  	v23 =	vmul.f32 $1.442695020e+00, v23;
	v24 =	vmin.f32 v24, $6.000000000e+01;
	(erf) = vpow2.f32 v17  }
0x51: {  	v8 =	vshrl.u32 v8, $0x3;
	v24 =	vmul.f32 $1.442695020e+00, v24;
	v31 =	vld [tilespmem:s20+$0x40];
	(erf) = vpow2.f32 v21  }
0x52: {  	v25 =	vmin.f32 v25, $6.000000000e+01;
	v16 =	vadd.f32 v56, v34;
	v17 =	vld [tilespmem:s20+$0x50];
	(erf) = vpow2.f32 v22  }
0x53: {  	v30 =	vadd.f32 v30, v36;
	v25 =	vmul.f32 $1.442695020e+00, v25;
	(erf) = vpow2.f32 v18  }
0x54: {  	v21 =	vld [tilespmem:s20+$0x60];
	v16 =	vmin.f32 v16, $6.000000000e+01;
	v22 =	vadd.f32 v57, v38;
	(erf) = vpow2.f32 v19  }
0x55: {  	v30 =	vmin.f32 v30, $6.000000000e+01;
	v16 =	vmul.f32 $1.442695020e+00, v16;
	v18 =	vld [tilespmem:s20+$0x70];
	(erf) = vpow2.f32 v20  }
0x56: {  	v31 =	vadd.f32 v39, v31;
	v22 =	vmin.f32 v22, $6.000000000e+01;
	(erf) = vpow2.f32 v26  }
0x57: {  	v19 =	vld [tilespmem:s20+$0x80];
	v17 =	vadd.f32 v17, v41;
	v22 =	vmul.f32 $1.442695020e+00, v22;
	v58 =	vpop (erf);
	(erf) = vpow2.f32 v28  }
0x58: {  	v20 =	vld [tilespmem:s20+$0x90];
	v31 =	vmin.f32 v31, $6.000000000e+01;
	v28 =	vmul.f32 $1.442695020e+00, v30;
	v30 =	vpop (erf);
	(erf) = vpow2.f32 v23  }
0x59: {  	v21 =	vadd.f32 v21, v42;
	v31 =	vmul.f32 $1.442695020e+00, v31;
	v23 =	vld [tilespmem:s20+$0xB0];
	v59 =	vpop (erf);
	(erf) = vpow2.f32 v24  }
0x5a: {  	v26 =	vld [tilespmem:s20+$0xA0];
	v17 =	vmin.f32 v17, $6.000000000e+01;
	v18 =	vadd.f32 v18, v45;
	v24 =	vpop (erf);
	(erf) = vpow2.f32 v25  }
0x5b: {  	v21 =	vmin.f32 v21, $6.000000000e+01;
	v17 =	vmul.f32 $1.442695020e+00, v17;
	v25 =	vld [tilespmem:s20+$0xC0];
	v60 =	vpop (erf);
	(erf) = vpow2.f32 v32  }
0x5c: {  	v19 =	vadd.f32 v49, v19;
	v21 =	vmul.f32 $1.442695020e+00, v21;
	v61 =	vpop (erf);
	(erf) = vpow2.f32 v16  }
0x5d: {  	v18 =	vmin.f32 v18, $6.000000000e+01;
	v20 =	vadd.f32 v20, v50;
	v16 =	vld [tilespmem:s20+$0xD0];
	v62 =	vpop (erf);
	(erf) = vpow2.f32 v28  }
0x5e: {  	v19 =	vmin.f32 v19, $6.000000000e+01;
	v23 =	vadd.f32 v23, v27;
	v27 =	vpop (erf);
	(erf) = vpow2.f32 v22  }
0x5f: {  	v26 =	vadd.f32 v26, v51;
	v18 =	vmul.f32 $1.442695020e+00, v18;
	v28 =	vpop (erf);
	(erf) = vpow2.f32 v31  }
0x60: {  	v20 =	vmin.f32 v20, $6.000000000e+01;
	v22 =	vld [tilespmem:s20+$0xE0];
	v15 =	vadd.f32 v15, v25;
	v25 =	vpop (erf);
	(erf) = vpow2.f32 v17  }
0x61: {  	v19 =	vmul.f32 $1.442695020e+00, v19;
	v26 =	vmin.f32 v26, $6.000000000e+01;
	v31 =	vpop (erf);
	(erf) = vpow2.f32 v21;
	v21 =	vld [tilespmem:s20+$0xFFFFFF30]  }
0x62: {  	v17 =	vmin.f32 v23, $6.000000000e+01;
	v14 =	vadd.f32 v16, v14;
	v16 =	vmul.f32 $1.442695020e+00, v20  }
0x63: {  	v10 =	vmin.f32 v10, $6.000000000e+01;
	v17 =	vmul.f32 $1.442695020e+00, v17;
	v63 =	vpop (erf);
	(erf) = vpow2.f32 v18  }
0x64: {  	v15 =	vmin.f32 v15, $6.000000000e+01;
	v18 =	vmul.f32 $1.442695020e+00, v26;
	v26 =	vpop (erf);
	(erf) = vpow2.f32 v19  }
0x65: {  	v15 =	vmul.f32 $1.442695020e+00, v15;
	v13 =	vadd.f32 v22, v13;
	v22 =	vpop (erf);
	(erf) = vpow2.f32 v16  }
0x66: {  	v14 =	vmin.f32 v14, $6.000000000e+01;
	v1 =	vpop (erf);
	(erf) = vpow2.f32 v18;
	v9 =	vadd.f32 v21, v9  }
0x67: {  	v14 =	vmul.f32 $1.442695020e+00, v14;
	v13 =	vmin.f32 v13, $6.000000000e+01;
	v39 =	vpop (erf);
	(erf) = vpow2.f32 v17  }
0x68: {  	v11 =	vmin.f32 v11, $6.000000000e+01;
	v13 =	vmul.f32 $1.442695020e+00, v13;
	v21 =	vpop (erf);
	(erf) = vpow2.f32 v15  }
0x69: {  	v6 =	vshll.u32 v6, v53;
	v11 =	vmul.f32 $1.442695020e+00, v11;
	v17 =	vpop (erf);
	(erf) = vpow2.f32 v14  }
0x6a: {  	v10 =	vmul.f32 $1.442695020e+00, v10;
	v14 =	vmin.f32 v9, $6.000000000e+01;
	(erf) = vpow2.f32 v13;
	v9 =	vpop (erf)  }
0x6b: {  	v15 =	vadd.f32 $-1.000000000e+00, v29;
	(erf) = vpow2.f32 v12;
	v12 =	vmul.f32 $1.442695020e+00, v14;
	v16 =	vpop (erf)  }
0x6c: {  	v8 =	vshll.u32 v8, v53;
	v14 =	vadd.f32 $1.000000000e+00, v30;
	(erf) = vpow2.f32 v10;
	v13 =	vpop (erf)  }
0x6d: {  	v33 =	vmul.f32 v58, v15;
	v15 =	vadd.f32 $1.000000000e+00, v59;
	(erf) = vpow2.f32 v11;
	v11 =	vpop (erf)  }
0x6e: {  	v6 =	vadd.s32 $0x1, v6;
	v19 =	vadd.f32 $1.000000000e+00, v60;
	(erf) = vpow2.f32 v12;
	v10 =	vpop (erf)  }
0x6f: {  	v34 =	vadd.f32 $-1.000000000e+00, v59;
	v18 =	vadd.f32 $1.000000000e+00, v24;
	(erf) = vrcp.f32 v14;
	v12 =	vpop (erf)  }
0x70: {  	v2 =	vadd.f32 $-1.000000000e+00, v24;
	v20 =	vadd.f32 $1.000000000e+00, v61;
	(erf) = vrcp.f32 v15;
	v14 =	vpop (erf)  }
0x71: {  	v35 =	vadd.f32 $-1.000000000e+00, v60;
	v23 =	vadd.f32 $1.000000000e+00, v62;
	(erf) = vrcp.f32 v18;
	v15 =	vpop (erf)  }
0x72: {  	v32 =	vadd.f32 $-1.000000000e+00, v61;
	v24 =	vadd.f32 $1.000000000e+00, v27;
	(erf) = vrcp.f32 v19;
	v19 =	vpop (erf)  }
0x73: {  	v36 =	vadd.f32 $-1.000000000e+00, v62;
	v48 =	vadd.f32 $1.000000000e+00, v28;
	(erf) = vrcp.f32 v20;
	v18 =	vpop (erf)  }
0x74: {  	v49 =	vadd.f32 $1.000000000e+00, v25;
	v50 =	vadd.f32 $-1.000000000e+00, v25;
	(erf) = vrcp.f32 v23;
	v20 =	vpop (erf)  }
0x75: {  	v51 =	vadd.f32 $1.000000000e+00, v31;
	v52 =	vadd.f32 $1.000000000e+00, v63;
	v23 =	vpop (erf);
	(erf) = vrcp.f32 v24  }
0x76: {  	v42 =	vadd.f32 $-1.000000000e+00, v26;
	v26 =	vadd.f32 $1.000000000e+00, v26;
	v24 =	vpop (erf);
	(erf) = vrcp.f32 v48  }
0x77: {  	v56 =	vadd.f32 $-1.000000000e+00, v22;
	v22 =	vadd.f32 $1.000000000e+00, v22;
	v25 =	vpop (erf);
	(erf) = vrcp.f32 v49  }
0x78: {  	v28 =	vadd.f32 $-1.000000000e+00, v28;
	v31 =	vadd.f32 $-1.000000000e+00, v31;
	(erf) = vrcp.f32 v51;
	v54 =	vpop (erf)  }
0x79: {  	v37 =	vadd.f32 $-1.000000000e+00, v63;
	v27 =	vadd.f32 $-1.000000000e+00, v27;
	v55 =	vpop (erf);
	(erf) = vrcp.f32 v52  }
0x7a: {  	s29 =	simm.s32 $0xC;
	v44 =	vadd.f32 $-1.000000000e+00, v1;
	v38 =	vadd.f32 $1.000000000e+00, v1;
	(erf) = vrcp.f32 v26;
	v26 =	vpop (erf)  }
0x7b: {  	v29 =	vmov s29;
	v57 =	vadd.f32 $1.000000000e+00, v39;
	(erf) = vrcp.f32 v22;
	v22 =	vpop (erf)  }
0x7c: {  	v39 =	vadd.f32 $-1.000000000e+00, v39;
	v58 =	vadd.f32 $1.000000000e+00, v21;
	(erf) = vrcp.f32 v38;
	v59 =	vpop (erf)  }
0x7d: {  	v60 =	vadd.f32 $1.000000000e+00, v17;
	v21 =	vadd.f32 $-1.000000000e+00, v21;
	(erf) = vrcp.f32 v57;
	v61 =	vpop (erf)  }
0x7e: {  	v17 =	vadd.f32 $-1.000000000e+00, v17;
	v62 =	vadd.f32 $1.000000000e+00, v9;
	(erf) = vrcp.f32 v58;
	v63 =	vpop (erf)  }
0x7f: {  	v30 =	vadd.f32 $-1.000000000e+00, v30;
	v26 =	vmul.f32 v26, v2;
	(erf) = vrcp.f32 v60;
	v2 =	vpop (erf)  }
0x80: {  	v9 =	vadd.f32 $-1.000000000e+00, v9;
	v1 =	vadd.f32 $1.000000000e+00, v16;
	(erf) = vrcp.f32 v62;
	v46 =	vpop (erf)  }
0x81: {  	v29 =	vshrl.u32 v29, $0x3;
	v16 =	vadd.f32 $-1.000000000e+00, v16;
	v45 =	vadd.f32 $1.000000000e+00, v13;
	v48 =	vpop (erf)  }
0x82: {  	v13 =	vadd.f32 $-1.000000000e+00, v13;
	v30 =	vmul.f32 v54, v30;
	v40 =	vmul.f32 v46, v50;
	v50 =	vpop (erf)  }
0x83: {  	v47 =	vadd.f32 $1.000000000e+00, v11;
	v34 =	vmul.f32 v55, v34;
	v22 =	vmul.f32 v22, v35;
	v52 =	vpop (erf)  }
0x84: {  	v11 =	vadd.f32 $-1.000000000e+00, v11;
	v32 =	vmul.f32 v59, v32;
	(erf) = vrcp.f32 v1;
	v55 =	vpop (erf)  }
0x85: {  	v49 =	vadd.f32 $1.000000000e+00, v10;
	(erf) = vrcp.f32 v45;
	v35 =	vmul.f32 v55, v56;
	v56 =	vpop (erf)  }
0x86: {  	v51 =	vadd.f32 $1.000000000e+00, v12;
	[tilespmem:s20+$0xFFFFFF40] =	vst v30;
	v27 =	vmul.f32 v63, v27;
	(erf) = vrcp.f32 v47;
	v58 =	vpop (erf)  }
0x87: {  	v54 =	vadd.f32 $1.000000000e+00, v14;
	[tilespmem:s20+$0xFFFFFF70] =	vst v22;
	v28 =	vmul.f32 v2, v28;
	(erf) = vrcp.f32 v49;
	v30 =	vpop (erf)  }
0x88: {  	v60 =	vadd.f32 $1.000000000e+00, v15;
	[tilespmem:s20+$0xFFFFFFA0] =	vst v27;
	v27 =	vbroadcast v6, $0x0;
	(erf) = vrcp.f32 v51;
	v22 =	vpop (erf)  }
0x89: {  	[tilespmem:s20+$0xF0] =	vst v33;
	(erf) = vrcp.f32 v54;
	v21 =	vmul.f32 v30, v21;
	v30 =	vadd.f32 $1.000000000e+00, v19;
	v6 =	vpop (erf)  }
0x8a: {  	[tilespmem:s20+$0xFFFFFFB0] =	vst v28;
	(erf) = vrcp.f32 v60;
	v28 =	vmul.f32 v6, v9;
	v6 =	vadd.f32 $1.000000000e+00, v20  }
0x8b: {  	s30 =	simm.s32 $0xD;
	s31 =	simm.s32 $0xE;
	[tilespmem:s20+$0xFFFFFF50] =	vst v34;
	(erf) = vrcp.f32 v30;
	v30 =	vmul.f32 v22, v17;
	v17 =	vadd.f32 $1.000000000e+00, v18  }
0x8c: {  	v57 =	vmov s30;
	v59 =	vmov s31;
	[tilespmem:s20+$0xFFFFFF60] =	vst v26;
	v36 =	vmul.f32 v61, v36  }
0x8d: {  	v26 =	vshrl.u32 v57, $0x3;
	[tilespmem:s20+$0xFFFFFF80] =	vst v32;
	v31 =	vmul.f32 v48, v31;
	(erf) = vrcp.f32 v17  }
0x8e: {  	v61 =	vshrl.u32 v59, $0x3;
	[tilespmem:s20+$0xFFFFFF90] =	vst v36;
	v37 =	vmul.f32 v50, v37;
	(erf) = vrcp.f32 v6;
	v6 =	vpop (erf)  }
0x8f: {  	[tilespmem:s20+$0xFFFFFFC0] =	vst v40;
	v17 =	vshll.u32 v26, v53;
	v26 =	vmul.f32 v6, v16;
	v16 =	vadd.f32 $1.000000000e+00, v23  }
0x90: {  	v63 =	vadd.f32 $-1.000000000e+00, v10;
	v42 =	vmul.f32 v52, v42;
	[tilespmem:s20+$0xFFFFFFD0] =	vst v31;
	v31 =	vadd.f32 $1.000000000e+00, v24  }
0x91: {  	[tilespmem:s20+$0xFFFFFFE0] =	vst v37;
	v41 =	vmul.f32 v56, v44;
	v39 =	vmul.f32 v58, v39;
	v22 =	vshll.u32 v29, v53  }
0x92: {  	v9 =	vbroadcast v7, $0x0;
	v7 =	vadd.s32 $0x3, v8;
	[tilespmem:s20+$0x30] =	vst v21;
	v21 =	vadd.f32 $-1.000000000e+00, v18  }
0x93: {  	[tilespmem:s20+$0xFFFFFFF0] =	vst v42;
	v18 =	vadd.f32 $-1.000000000e+00, v25;
	v8 =	vbroadcast v7, $0x0;
	(erf) = vrcp.f32 v16;
	v16 =	vpop (erf)  }
0x94: {  	[tilespmem:s20+$0x0] =	vst v35;
	v29 =	vld.idx.msk [tilespmem:v5+s12+$0x0], $0xffff;
	v7 =	vadd.s32 $0x4, v22;
	v22 =	vadd.f32 $-1.000000000e+00, v15;
	v15 =	vadd.f32 $-1.000000000e+00, v19;
	v5 =	vpop (erf)  }
0x95: {  	[tilespmem:s20+$0x10] =	vst v41;
	v19 =	vadd.f32 $-1.000000000e+00, v24;
	v10 =	vmul.f32 v5, v11;
	v11 =	vadd.f32 $1.000000000e+00, v25  }
0x96: {  	[tilespmem:s20+$0x20] =	vst v39;
	v6 =	vadd.s32 $0x5, v17;
	v17 =	vshll.u32 v61, v53;
	v13 =	vmul.f32 v16, v13  }
0x97: {  	v7 =	vbroadcast v7, $0x0;
	[tilespmem:s20+$0x40] =	vst v30;
	v6 =	vbroadcast v6, $0x0;
	v62 =	vadd.s32 $0x6, v17  }
0x98: {  	[tilespmem:s20+$0x50] =	vst v28;
	v17 =	vadd.f32 $-1.000000000e+00, v12;
	v12 =	vadd.f32 $-1.000000000e+00, v20;
	(erf) = vrcp.f32 v31  }
0x99: {  	v20 =	vadd.f32 $-1.000000000e+00, v23;
	v23 =	vmul.f32 v29, v0;
	[tilespmem:s20+$0x60] =	vst v26;
	(erf) = vrcp.f32 v11;
	v11 =	vpop (erf)  }
0x9a: {  	s21 =	simm.s32 $0x10;
	s22 =	simm.s32 $0xF;
	v24 =	vld.idx.msk [tilespmem:v27+s12+$0x0], $0xffff;
	v16 =	vadd.f32 $-1.000000000e+00, v14;
	v5 =	vbroadcast v62, $0x0;
	[tilespmem:s20+$0x70] =	vst v13;
	v11 =	vmul.f32 v11, v63;
	v13 =	vpop (erf)  }
.LBB2_3:
0x9b: {  	v0 =	vld [tilespmem:$0x1FFE0]  }
0x9c: {  	v14 =	vmov s22;
	v1 =	vld [tilespmem:$0x1FFF0]  }
0x9d: {  	v3 =	vld [tilespmem:$0x1FFD0];
	[tilespmem:s20+$0x80] =	vst v10;
	v10 =	vmul.f32 v13, v17;
	v13 =	vpop (erf);
	v14 =	vshrl.u32 v14, $0x3  }
0x9e: {  	[tilespmem:s20+$0x90] =	vst v11;
	v11 =	vmul.f32 v13, v16;
	v13 =	vpop (erf);
	v14 =	vshll.u32 v14, v53  }
0x9f: {  	[tilespmem:s20+$0xA0] =	vst v10;
	v10 =	vmul.f32 v13, v22;
	v13 =	vpop (erf);
	v14 =	vadd.s32 $0x7, v14  }
0xa0: {  	v9 =	vld.idx.msk [tilespmem:v9+s12+$0x0], $0xffff;
	v2 =	vmul.f32 v13, v15;
	v14 =	vbroadcast v14, $0x0  }
0xa1: {  	v25 =	vmul.f32 v29, v0;
	v26 =	vmul.f32 v29, v1  }
0xa2: {  	[tilespmem:s20+$0xB0] =	vst v11;
	v13 =	vpop (erf);
	v29 =	vmul.f32 v29, v4;
	v22 =	vmul.f32 v24, v3  }
0xa3: {  	v8 =	vld.idx.msk [tilespmem:v8+s12+$0x0], $0xffff;
	[tilespmem:s20+$0xC0] =	vst v10;
	v16 =	vmul.f32 v13, v21;
	v13 =	vpop (erf);
	v21 =	vmul.f32 v24, v0  }
0xa4: {  	v15 =	vmov s21;
	v30 =	vmul.f32 v24, v1;
	v17 =	vmul.f32 v13, v12;
	[tilespmem:s20+$0xD0] =	vst v2;
	v11 =	vpop (erf)  }
0xa5: {  	v31 =	vmul.f32 v9, v0;
	v13 =	vshrl.u32 v15, $0x3;
	v15 =	vld.idx.msk [tilespmem:v7+s12+$0x0], $0xffff;
	v7 =	vmul.f32 v11, v20;
	[tilespmem:s20+$0xE0] =	vst v16;
	v10 =	vpop (erf)  }
0xa6: {  	v32 =	vmul.f32 v9, v1;
	[tilespmem:s20+$0xFFFFFF00] =	vst v17;
	v10 =	vmul.f32 v10, v19;
	v12 =	vpop (erf)  }
0xa7: {  	v33 =	vmul.f32 v9, v4;
	v19 =	vld.idx.msk [tilespmem:v6+s12+$0x0], $0xffff;
	[tilespmem:s20+$0xFFFFFF10] =	vst v7;
	v6 =	vmul.f32 v12, v18  }
0xa8: {  	s25 =	sadd.s32 $0x1, s21;
	v34 =	vmul.f32 v8, v3;
	v35 =	vmul.f32 v8, v0;
	v18 =	vld.idx.msk [tilespmem:v5+s12+$0x0], $0xffff;
	[tilespmem:s20+$0xFFFFFF20] =	vst v10  }
0xa9: {  	s26 =	sadd.s32 $0x2, s21;
	v36 =	vmul.f32 v8, v1;
	v37 =	vmul.f32 v8, v4;
	v11 =	vmov s25;
	v14 =	vld.idx.msk [tilespmem:v14+s12+$0x0], $0xffff;
	[tilespmem:s20+$0xFFFFFF30] =	vst v6;
	s20 =	sadd.s32 $0x200, s20  }
0xaa: {  	s28 =	sadd.s32 $0x3, s21;
	v20 =	vmul.f32 v24, v4;
	v16 =	vmov s26;
	v24 =	vmul.f32 v9, v3;
	v28 =	vld [tilespmem:s20+$0xF0]  }
0xab: {  	s29 =	sadd.s32 $0x4, s21;
	s31 =	sadd.s32 $0x6, s21;
	v8 =	vshrl.u32 v11, $0x3;
	v9 =	vshrl.u32 v16, $0x3;
	v12 =	vmov s28;
	v11 =	vld [tilespmem:s20+$0xFFFFFF00]  }
0xac: {  	v7 =	vmov s31;
	v5 =	vshll.u32 v13, v53;
	v10 =	vmov s29;
	v43 =	vld [tilespmem:s20+$0xFFFFFF10]  }
0xad: {  	s30 =	sadd.s32 $0x5, s21;
	v13 =	vshrl.u32 v12, $0x3;
	v7 =	vshrl.u32 v7, $0x3;
	v38 =	vmul.f32 v15, v3;
	v12 =	vld [tilespmem:s20+$0xFFFFFF20]  }
0xae: {  	v6 =	vmov s30;
	v39 =	vmul.f32 v15, v0;
	v40 =	vmul.f32 v15, v1;
	v46 =	vld [tilespmem:s20+$0xFFFFFF30]  }
0xaf: {  	v41 =	vmul.f32 v15, v4;
	v15 =	vshrl.u32 v10, $0x3;
	v47 =	vld [tilespmem:s20+$0xFFFFFF40];
	v42 =	vmul.f32 v19, v3  }
0xb0: {  	v56 =	vld [tilespmem:s20+$0x40];
	v6 =	vshrl.u32 v6, $0x3;
	v44 =	vmul.f32 v19, v0;
	v27 =	vmul.f32 v19, v1  }
0xb1: {  	v58 =	vld [tilespmem:s20+$0x60];
	v15 =	vshll.u32 v15, v53;
	v48 =	vmul.f32 v19, v4;
	v45 =	vmul.f32 v14, v4  }
0xb2: {  	v19 =	vld [tilespmem:s20+$0xFFFFFF50];
	v6 =	vshll.u32 v6, v53;
	v49 =	vmul.f32 v18, v3;
	v16 =	vmul.f32 v14, v3  }
0xb3: {  	v62 =	vld [tilespmem:s20+$0xFFFFFF60];
	v17 =	vmul.f32 v14, v0;
	v14 =	vmul.f32 v14, v1;
	v10 =	vadd.f32 v28, v45  }
0xb4: {  	v61 =	vld [tilespmem:s20+$0x90];
	v11 =	vadd.f32 v23, v11;
	v45 =	vmul.f32 v18, v0;
	v23 =	vadd.f32 v43, v25  }
0xb5: {  	v63 =	vld [tilespmem:s20+$0xFFFFFF90];
	v28 =	vmul.f32 v18, v1;
	v12 =	vadd.f32 v12, v26;
	v22 =	vadd.f32 v22, v47  }
0xb6: {  	v2 =	vld [tilespmem:s20+$0x0];
	v25 =	vmul.f32 v18, v4;
	v42 =	vadd.f32 v42, v56;
	v27 =	vadd.f32 v58, v27  }
0xb7: {  	v50 =	vld [tilespmem:s20+$0x10];
	v21 =	vadd.f32 v19, v21;
	v10 =	vmin.f32 v10, $6.000000000e+01;
	v11 =	vmin.f32 v11, $6.000000000e+01  }
0xb8: {  	v26 =	vld [tilespmem:s20+$0xFFFFFF70];
	v12 =	vmin.f32 v12, $6.000000000e+01;
	v19 =	vmin.f32 v22, $6.000000000e+01;
	v22 =	vadd.f32 v62, v30  }
0xb9: {  	v0 =	vld [tilespmem:s20+$0xFFFFFFC0];
	v42 =	vmin.f32 v42, $6.000000000e+01;
	v27 =	vmin.f32 v27, $6.000000000e+01;
	v45 =	vadd.f32 v61, v45  }
0xba: {  	v1 =	vld [tilespmem:s20+$0xFFFFFFF0];
	v18 =	vmul.f32 $1.442695020e+00, v10;
	v10 =	vmul.f32 $1.442695020e+00, v11;
	v11 =	vmin.f32 v23, $6.000000000e+01  }
0xbb: {  	v57 =	vld [tilespmem:s20+$0x50];
	v23 =	vadd.f32 v46, v29;
	v12 =	vmul.f32 $1.442695020e+00, v12;
	v19 =	vmul.f32 $1.442695020e+00, v19  }
0xbc: {  	v30 =	vld [tilespmem:s20+$0xFFFFFFB0];
	v21 =	vmin.f32 v21, $6.000000000e+01;
	v42 =	vmul.f32 $1.442695020e+00, v42;
	v27 =	vmul.f32 $1.442695020e+00, v27  }
0xbd: {  	v62 =	vld [tilespmem:s20+$0xA0];
	v11 =	vmul.f32 $1.442695020e+00, v11;
	(erf) = vpow2.f32 v18;
	v18 =	vmin.f32 v23, $6.000000000e+01  }
0xbe: {  	v29 =	vld [tilespmem:s20+$0xFFFFFF80];
	v26 =	vadd.f32 v26, v20;
	v20 =	vmul.f32 $1.442695020e+00, v21;
	v47 =	vadd.f32 v34, v0  }
0xbf: {  	v21 =	vmin.f32 v22, $6.000000000e+01;
	v37 =	vadd.f32 v1, v37;
	v34 =	vadd.f32 v50, v39  }
0xc0: {  	v23 =	vld [tilespmem:s20+$0xFFFFFFA0];
	v21 =	vmul.f32 $1.442695020e+00, v21;
	v22 =	vmin.f32 v26, $6.000000000e+01;
	v26 =	vadd.f32 v63, v31  }
0xc1: {  	v0 =	vld [tilespmem:s20+$0xC0];
	v30 =	vadd.f32 v30, v33;
	v33 =	vadd.f32 v38, v2;
	v37 =	vmin.f32 v37, $6.000000000e+01  }
0xc2: {  	v1 =	vld [tilespmem:s20+$0xD0];
	v34 =	vmin.f32 v34, $6.000000000e+01;
	v38 =	vadd.f32 v57, v44;
	v28 =	vadd.f32 v62, v28  }
0xc3: {  	v54 =	vld [tilespmem:s20+$0x30];
	v24 =	vadd.f32 v24, v29;
	v22 =	vmul.f32 $1.442695020e+00, v22;
	v37 =	vmul.f32 $1.442695020e+00, v37  }
0xc4: {  	v31 =	vld [tilespmem:s20+$0xFFFFFFE0];
	v34 =	vmul.f32 $1.442695020e+00, v34;
	v30 =	vmin.f32 v30, $6.000000000e+01;
	v33 =	vmin.f32 v33, $6.000000000e+01  }
0xc5: {  	v60 =	vld [tilespmem:s20+$0x80];
	v38 =	vmin.f32 v38, $6.000000000e+01;
	v28 =	vmin.f32 v28, $6.000000000e+01;
	v24 =	vmin.f32 v24, $6.000000000e+01  }
0xc6: {  	v63 =	vld [tilespmem:s20+$0xB0];
	v32 =	vadd.f32 v23, v32;
	v30 =	vmul.f32 $1.442695020e+00, v30;
	v33 =	vmul.f32 $1.442695020e+00, v33  }
0xc7: {  	v2 =	vld [tilespmem:s20+$0xE0];
	v38 =	vmul.f32 $1.442695020e+00, v38;
	v16 =	vadd.f32 v16, v0;
	v17 =	vadd.f32 v1, v17  }
0xc8: {  	v29 =	vld [tilespmem:s20+$0xFFFFFFD0];
	v28 =	vmul.f32 $1.442695020e+00, v28;
	v23 =	vmul.f32 $1.442695020e+00, v24;
	v24 =	vmin.f32 v26, $6.000000000e+01  }
0xc9: {  	v51 =	vld [tilespmem:s20+$0x20];
	v24 =	vmul.f32 $1.442695020e+00, v24;
	v26 =	vmin.f32 v32, $6.000000000e+01;
	v31 =	vadd.f32 v31, v36;
	v52 =	vpop (erf)  }
0xca: {  	v59 =	vld [tilespmem:s20+$0x70];
	v32 =	vmin.f32 v47, $6.000000000e+01;
	v36 =	vadd.f32 v54, v41;
	v55 =	vadd.f32 $1.000000000e+00, v52  }
0xcb: {  	v41 =	vadd.f32 v49, v60;
	v54 =	vmin.f32 v45, $6.000000000e+01;
	v25 =	vadd.f32 v63, v25  }
0xcc: {  	v16 =	vmin.f32 v16, $6.000000000e+01;
	v14 =	vadd.f32 v2, v14;
	(erf) = vrcp.f32 v55  }
0xcd: {  	v17 =	vmin.f32 v17, $6.000000000e+01;
	v26 =	vmul.f32 $1.442695020e+00, v26;
	v29 =	vadd.f32 v29, v35  }
0xce: {  	v32 =	vmul.f32 $1.442695020e+00, v32;
	v35 =	vadd.f32 v51, v40;
	v57 =	vmul.f32 $1.442695020e+00, v54  }
0xcf: {  	v40 =	vadd.f32 v59, v48;
	v58 =	vmul.f32 $1.442695020e+00, v16;
	v17 =	vmul.f32 $1.442695020e+00, v17  }
0xd0: {  	v16 =	vmul.f32 $1.442695020e+00, v18;
	v31 =	vmin.f32 v31, $6.000000000e+01;
	v36 =	vmin.f32 v36, $6.000000000e+01  }
0xd1: {  	v41 =	vmin.f32 v41, $6.000000000e+01;
	v25 =	vmin.f32 v25, $6.000000000e+01;
	v14 =	vmin.f32 v14, $6.000000000e+01  }
0xd2: {  	v29 =	vmin.f32 v29, $6.000000000e+01;
	v31 =	vmul.f32 $1.442695020e+00, v31;
	v35 =	vmin.f32 v35, $6.000000000e+01  }
0xd3: {  	v43 =	vadd.f32 $-1.000000000e+00, v52;
	v36 =	vmul.f32 $1.442695020e+00, v36;
	v56 =	vmul.f32 $1.442695020e+00, v41  }
0xd4: {  	v40 =	vmin.f32 v40, $6.000000000e+01;
	v25 =	vmul.f32 $1.442695020e+00, v25;
	v18 =	vmul.f32 $1.442695020e+00, v14  }
0xd5: {  	v14 =	vbroadcast v5, $0x0;
	v5 =	vshll.u32 v8, v53;
	v52 =	vpop (erf);
	(erf) = vpow2.f32 v19  }
0xd6: {  	v8 =	vshll.u32 v9, v53;
	v29 =	vmul.f32 $1.442695020e+00, v29;
	(erf) = vpow2.f32 v20  }
0xd7: {  	v35 =	vmul.f32 $1.442695020e+00, v35;
	v5 =	vadd.s32 $0x1, v5;
	(erf) = vpow2.f32 v21  }
0xd8: {  	v55 =	vmul.f32 $1.442695020e+00, v40;
	v19 =	vshll.u32 v13, v53;
	(erf) = vpow2.f32 v22  }
0xd9: {  	v13 =	vbroadcast v5, $0x0;
	v5 =	vadd.s32 $0x2, v8;
	(erf) = vpow2.f32 v23  }
0xda: {  	v43 =	vmul.f32 v52, v43;
	v20 =	vshll.u32 v7, v53;
	(erf) = vpow2.f32 v24  }
0xdb: {  	v9 =	vbroadcast v5, $0x0;
	v5 =	vadd.s32 $0x3, v19;
	(erf) = vpow2.f32 v26  }
0xdc: {  	v8 =	vbroadcast v5, $0x0;
	v5 =	vadd.s32 $0x4, v15;
	(erf) = vpow2.f32 v30  }
0xdd: {  	v7 =	vbroadcast v5, $0x0;
	v5 =	vadd.s32 $0x5, v6;
	(erf) = vpow2.f32 v32  }
0xde: {  	v6 =	vbroadcast v5, $0x0;
	v5 =	vadd.s32 $0x6, v20;
	v15 =	vpop (erf);
	(erf) = vpow2.f32 v29  }
0xdf: {  	v24 =	vadd.f32 $-1.000000000e+00, v15;
	v15 =	vadd.f32 $1.000000000e+00, v15;
	v19 =	vpop (erf);
	(erf) = vpow2.f32 v31  }
0xe0: {  	v29 =	vadd.f32 $-1.000000000e+00, v19;
	v19 =	vadd.f32 $1.000000000e+00, v19;
	v20 =	vpop (erf);
	(erf) = vpow2.f32 v37  }
0xe1: {  	v30 =	vadd.f32 $-1.000000000e+00, v20;
	v20 =	vadd.f32 $1.000000000e+00, v20;
	v21 =	vpop (erf);
	(erf) = vpow2.f32 v33  }
0xe2: {  	v31 =	vadd.f32 $-1.000000000e+00, v21;
	v21 =	vadd.f32 $1.000000000e+00, v21;
	v22 =	vpop (erf);
	(erf) = vpow2.f32 v34  }
0xe3: {  	v32 =	vadd.f32 $-1.000000000e+00, v22;
	v44 =	vadd.f32 $1.000000000e+00, v22;
	v22 =	vpop (erf);
	(erf) = vpow2.f32 v35  }
0xe4: {  	v33 =	vadd.f32 $-1.000000000e+00, v22;
	v45 =	vadd.f32 $1.000000000e+00, v22;
	v22 =	vpop (erf);
	(erf) = vpow2.f32 v36  }
0xe5: {  	v34 =	vadd.f32 $-1.000000000e+00, v22;
	v46 =	vadd.f32 $1.000000000e+00, v22;
	v22 =	vpop (erf);
	(erf) = vpow2.f32 v42  }
0xe6: {  	v35 =	vadd.f32 $-1.000000000e+00, v22;
	v47 =	vadd.f32 $1.000000000e+00, v22;
	v22 =	vpop (erf);
	(erf) = vpow2.f32 v38  }
0xe7: {  	v36 =	vadd.f32 $-1.000000000e+00, v22;
	v48 =	vadd.f32 $1.000000000e+00, v22;
	v22 =	vpop (erf);
	(erf) = vpow2.f32 v27  }
0xe8: {  	v37 =	vadd.f32 $-1.000000000e+00, v22;
	v49 =	vadd.f32 $1.000000000e+00, v22;
	v22 =	vpop (erf);
	(erf) = vpow2.f32 v55  }
0xe9: {  	v38 =	vadd.f32 $-1.000000000e+00, v22;
	v50 =	vadd.f32 $1.000000000e+00, v22;
	v22 =	vpop (erf);
	(erf) = vpow2.f32 v56  }
0xea: {  	v39 =	vadd.f32 $-1.000000000e+00, v22;
	v51 =	vadd.f32 $1.000000000e+00, v22;
	v22 =	vpop (erf);
	(erf) = vpow2.f32 v57  }
0xeb: {  	v40 =	vadd.f32 $-1.000000000e+00, v22;
	v52 =	vadd.f32 $1.000000000e+00, v22;
	v22 =	vpop (erf);
	(erf) = vpow2.f32 v28  }
0xec: {  	v41 =	vadd.f32 $-1.000000000e+00, v22;
	v2 =	vadd.f32 $1.000000000e+00, v22;
	v22 =	vpop (erf);
	(erf) = vpow2.f32 v25  }
0xed: {  	v42 =	vadd.f32 $-1.000000000e+00, v22;
	v54 =	vadd.f32 $1.000000000e+00, v22;
	v22 =	vpop (erf);
	(erf) = vpow2.f32 v58  }
0xee: {  	[tilespmem:s20+$0xF0] =	vst v43;
	v25 =	vadd.f32 $-1.000000000e+00, v22;
	v43 =	vadd.f32 $1.000000000e+00, v22;
	v22 =	vpop (erf);
	(erf) = vpow2.f32 v17  }
0xef: {  	v26 =	vadd.f32 $-1.000000000e+00, v22;
	v55 =	vadd.f32 $1.000000000e+00, v22;
	v17 =	vpop (erf);
	(erf) = vpow2.f32 v18  }
0xf0: {  	v27 =	vadd.f32 $-1.000000000e+00, v17;
	v56 =	vadd.f32 $1.000000000e+00, v17;
	(erf) = vpow2.f32 v10;
	v10 =	vpop (erf)  }
0xf1: {  	v28 =	vadd.f32 $-1.000000000e+00, v10;
	v57 =	vadd.f32 $1.000000000e+00, v10;
	(erf) = vpow2.f32 v11;
	v11 =	vpop (erf)  }
0xf2: {  	v10 =	vadd.f32 $-1.000000000e+00, v11;
	v58 =	vadd.f32 $1.000000000e+00, v11;
	(erf) = vpow2.f32 v12;
	v11 =	vpop (erf)  }
0xf3: {  	v23 =	vadd.f32 $-1.000000000e+00, v11;
	v59 =	vadd.f32 $1.000000000e+00, v11;
	(erf) = vpow2.f32 v16;
	v12 =	vpop (erf)  }
0xf4: {  	v11 =	vadd.f32 $-1.000000000e+00, v12;
	v60 =	vadd.f32 $1.000000000e+00, v12;
	(erf) = vrcp.f32 v15;
	v12 =	vpop (erf)  }
0xf5: {  	v17 =	vadd.f32 $-1.000000000e+00, v12;
	v61 =	vadd.f32 $1.000000000e+00, v12;
	(erf) = vrcp.f32 v19;
	v12 =	vpop (erf)  }
0xf6: {  	v16 =	vadd.f32 $-1.000000000e+00, v12;
	v62 =	vadd.f32 $1.000000000e+00, v12;
	(erf) = vrcp.f32 v20;
	v12 =	vpop (erf)  }
0xf7: {  	v22 =	vadd.f32 $-1.000000000e+00, v12;
	v63 =	vadd.f32 $1.000000000e+00, v12;
	(erf) = vrcp.f32 v21;
	v12 =	vpop (erf)  }
0xf8: {  	v15 =	vadd.f32 $-1.000000000e+00, v12;
	v0 =	vadd.f32 $1.000000000e+00, v12;
	(erf) = vrcp.f32 v44;
	v12 =	vpop (erf)  }
0xf9: {  	v21 =	vadd.f32 $-1.000000000e+00, v12;
	v44 =	vadd.f32 $1.000000000e+00, v12;
	v18 =	vpop (erf);
	(erf) = vrcp.f32 v45  }
0xfa: {  	v12 =	vadd.f32 $-1.000000000e+00, v18;
	v45 =	vadd.f32 $1.000000000e+00, v18;
	v18 =	vpop (erf);
	(erf) = vrcp.f32 v46  }
0xfb: {  	v20 =	vadd.f32 $-1.000000000e+00, v18;
	v46 =	vadd.f32 $1.000000000e+00, v18;
	v18 =	vpop (erf);
	(erf) = vrcp.f32 v47  }
0xfc: {  	v1 =	vpop (erf);
	(erf) = vrcp.f32 v48  }
0xfd: {  	v5 =	vbroadcast v5, $0x0;
	v48 =	vpop (erf);
	(erf) = vrcp.f32 v49  }
0xfe: {  	v24 =	vmul.f32 v48, v24;
	v48 =	vpop (erf);
	(erf) = vrcp.f32 v50  }
0xff: {  	v29 =	vmul.f32 v48, v29;
	v48 =	vpop (erf);
	(erf) = vrcp.f32 v51  }
0x100: {  	[tilespmem:s20+$0xFFFFFF40] =	vst v24;
	v24 =	vmul.f32 v48, v30;
	v30 =	vpop (erf);
	(erf) = vrcp.f32 v52  }
0x101: {  	[tilespmem:s20+$0xFFFFFF50] =	vst v29;
	v29 =	vmul.f32 v30, v31;
	v30 =	vpop (erf);
	(erf) = vrcp.f32 v2  }
0x102: {  	[tilespmem:s20+$0xFFFFFF60] =	vst v24;
	v24 =	vmul.f32 v30, v32;
	v30 =	vpop (erf);
	(erf) = vrcp.f32 v54  }
0x103: {  	[tilespmem:s20+$0xFFFFFF70] =	vst v29;
	v29 =	vmul.f32 v30, v33;
	v30 =	vpop (erf);
	(erf) = vrcp.f32 v43  }
0x104: {  	[tilespmem:s20+$0xFFFFFF80] =	vst v24;
	v24 =	vmul.f32 v30, v34;
	v30 =	vpop (erf);
	(erf) = vrcp.f32 v55  }
0x105: {  	[tilespmem:s20+$0xFFFFFF90] =	vst v29;
	v29 =	vmul.f32 v30, v35;
	v30 =	vpop (erf);
	(erf) = vrcp.f32 v56  }
0x106: {  	[tilespmem:s20+$0xFFFFFFA0] =	vst v24;
	v24 =	vmul.f32 v30, v36;
	v30 =	vpop (erf);
	(erf) = vrcp.f32 v57  }
0x107: {  	[tilespmem:s20+$0xFFFFFFB0] =	vst v29;
	v29 =	vmul.f32 v30, v37;
	v30 =	vpop (erf);
	(erf) = vrcp.f32 v58  }
0x108: {  	[tilespmem:s20+$0xFFFFFFC0] =	vst v24;
	v24 =	vmul.f32 v30, v38;
	v30 =	vpop (erf);
	(erf) = vrcp.f32 v59  }
0x109: {  	[tilespmem:s20+$0xFFFFFFD0] =	vst v29;
	v59 =	vmul.f32 v30, v39;
	v30 =	vpop (erf);
	(erf) = vrcp.f32 v60  }
0x10a: {  	[tilespmem:s20+$0xFFFFFFE0] =	vst v24;
	v24 =	vmul.f32 v30, v40;
	v30 =	vpop (erf);
	(erf) = vrcp.f32 v61  }
0x10b: {  	[tilespmem:s20+$0xFFFFFFF0] =	vst v59;
	v30 =	vmul.f32 v30, v41;
	v29 =	vpop (erf);
	(erf) = vrcp.f32 v62  }
0x10c: {  	[tilespmem:s20+$0x0] =	vst v24;
	v60 =	vmul.f32 v29, v42;
	v31 =	vpop (erf);
	(erf) = vrcp.f32 v63  }
0x10d: {  	v19 =	vadd.f32 $-1.000000000e+00, v18;
	v29 =	vld.idx.msk [tilespmem:v14+s12+$0x0], $0xffff;
	[tilespmem:s20+$0x10] =	vst v30;
	v14 =	vmul.f32 v31, v25;
	v25 =	vpop (erf);
	(erf) = vrcp.f32 v0  }
0x10e: {  	p0 =	slt.u32 s21, $0xF8;
	v47 =	vadd.f32 $1.000000000e+00, v18;
	[tilespmem:s20+$0x20] =	vst v60;
	v61 =	vmul.f32 v25, v26;
	v24 =	vpop (erf);
	(erf) = vrcp.f32 v44  }
.Ltmp0:
0x10f: {  	v18 =	vadd.f32 $-1.000000000e+00, v1;
	[tilespmem:s20+$0x30] =	vst v14;
	v14 =	vmul.f32 v24, v27;
	(erf) = vrcp.f32 v45;
	v24 =	vpop (erf);
	(pc) =	sbr.rel @p0 .LBB2_3-.Ltmp0, $4  }
0x110: {  	v1 =	vadd.f32 $1.000000000e+00, v1;
	[tilespmem:s20+$0x40] =	vst v61;
	v62 =	vmul.f32 v24, v28;
	(erf) = vrcp.f32 v46;
	v25 =	vpop (erf)  }
0x111: {  	[tilespmem:s20+$0x50] =	vst v14;
	v14 =	vmul.f32 v25, v10;
	(erf) = vrcp.f32 v47;
	v10 =	vpop (erf)  }
0x112: {  	[tilespmem:s20+$0x60] =	vst v62;
	v10 =	vmul.f32 v10, v23;
	(erf) = vrcp.f32 v1;
	v63 =	vpop (erf)  }
0x113: {  	s22 =	sadd.s32 $0x7, s21;
	s21 =	sadd.s32 $0x8, s21;
	v24 =	vld.idx.msk [tilespmem:v13+s12+$0x0], $0xffff;
	v23 =	vmul.f32 v29, v3;
	[tilespmem:s20+$0x70] =	vst v14;
	v11 =	vmul.f32 v63, v11;
	v13 =	vpop (erf)  }
0x114: {  	v3 =	vld [tilespmem:$0x1FFE0]  }
0x115: {  	v1 =	vmov s22;
	v51 =	vld [tilespmem:$0x1FFF0]  }
0x116: {  	v47 =	vpop (erf);
	v2 =	vld [tilespmem:$0x1FFD0];
	v1 =	vshrl.u32 v1, $0x3  }
0x117: {  	v17 =	vmul.f32 v13, v17;
	v26 =	vmul.f32 v29, v4;
	v49 =	vpop (erf);
	v1 =	vshll.u32 v1, v53  }
0x118: {  	v16 =	vmul.f32 v47, v16;
	v14 =	vmul.f32 v49, v22;
	v50 =	vpop (erf);
	v1 =	vadd.s32 $0x7, v1  }
0x119: {  	v52 =	vld.idx.msk [tilespmem:v9+s12+$0x0], $0xffff;
	v15 =	vmul.f32 v50, v15;
	v54 =	vpop (erf);
	v1 =	vbroadcast v1, $0x0  }
0x11a: {  	v56 =	vld.idx.msk [tilespmem:v8+s12+$0x0], $0xffff;
	v13 =	vmul.f32 v54, v21;
	v0 =	vmul.f32 v29, v3  }
0x11b: {  	v59 =	vld.idx.msk [tilespmem:v7+s12+$0x0], $0xffff;
	v55 =	vpop (erf);
	v25 =	vmul.f32 v29, v51;
	v27 =	vmul.f32 v24, v2  }
0x11c: {  	v6 =	vld.idx.msk [tilespmem:v6+s12+$0x0], $0xffff;
	v28 =	vmul.f32 v24, v3;
	v12 =	vmul.f32 v55, v12  }
0x11d: {  	v5 =	vld.idx.msk [tilespmem:v5+s12+$0x0], $0xffff;
	s21 =	sadd.s32 $0x200, s20;
	v29 =	vmul.f32 v24, v51;
	v24 =	vmul.f32 v24, v4  }
0x11e: {  	v60 =	vld [tilespmem:s21+$0xF0];
	v30 =	vmul.f32 v52, v2;
	v31 =	vmul.f32 v52, v3  }
0x11f: {  	v40 =	vld [tilespmem:s21+$0xFFFFFF00];
	v32 =	vmul.f32 v52, v51;
	v22 =	vmul.f32 v52, v4  }
0x120: {  	v43 =	vld [tilespmem:s21+$0xFFFFFF10];
	v33 =	vmul.f32 v56, v2;
	v34 =	vmul.f32 v56, v3  }
0x121: {  	v48 =	vld [tilespmem:s21+$0xFFFFFF30];
	v35 =	vmul.f32 v56, v51;
	v36 =	vmul.f32 v56, v4  }
0x122: {  	v37 =	vmul.f32 v59, v2;
	v38 =	vmul.f32 v59, v3;
	v1 =	vld.idx.msk [tilespmem:v1+s12+$0x0], $0xffff  }
0x123: {  	v46 =	vld [tilespmem:s21+$0xFFFFFF20];
	v39 =	vmul.f32 v59, v51;
	v41 =	vmul.f32 v59, v4  }
0x124: {  	v62 =	vld [tilespmem:s21+$0xFFFFFF50];
	v42 =	vmul.f32 v6, v2;
	v44 =	vmul.f32 v6, v3  }
0x125: {  	v57 =	vpop (erf);
	v45 =	vmul.f32 v6, v51;
	v49 =	vmul.f32 v6, v4;
	v56 =	vld [tilespmem:s21+$0xFFFFFF80]  }
0x126: {  	v50 =	vmul.f32 v5, v2;
	v9 =	vmul.f32 v57, v20;
	v23 =	vadd.f32 v23, v40  }
0x127: {  	v61 =	vld [tilespmem:s21+$0xFFFFFF40];
	v58 =	vpop (erf);
	v40 =	vmul.f32 v5, v3;
	v26 =	vadd.f32 v48, v26;
	v47 =	vmul.f32 v1, v4  }
0x128: {  	v52 =	vld [tilespmem:s21+$0xFFFFFF70];
	v8 =	vmul.f32 v58, v19;
	v0 =	vadd.f32 v43, v0;
	v54 =	vadd.f32 v46, v25  }
0x129: {  	v57 =	vld [tilespmem:s21+$0xFFFFFF90];
	v7 =	vpop (erf);
	v43 =	vmul.f32 v5, v4;
	v59 =	vadd.f32 v62, v28;
	v6 =	vadd.f32 v60, v47  }
0x12a: {  	v7 =	vmul.f32 v7, v18;
	v26 =	vmin.f32 v26, $6.000000000e+01;
	v30 =	vadd.f32 v30, v56;
	v56 =	vld [tilespmem:s21+$0xFFFFFFF0]  }
0x12b: {  	v63 =	vld [tilespmem:s21+$0xFFFFFF60];
	v25 =	vmin.f32 v59, $6.000000000e+01;
	v47 =	vmul.f32 v5, v51;
	v5 =	vmin.f32 v6, $6.000000000e+01  }
0x12c: {  	v0 =	vmin.f32 v0, $6.000000000e+01;
	v25 =	vmul.f32 $1.442695020e+00, v25;
	v55 =	vmul.f32 $1.442695020e+00, v5  }
0x12d: {  	v62 =	vadd.f32 v52, v24;
	v21 =	vmul.f32 v1, v2;
	v20 =	vmul.f32 v1, v3  }
0x12e: {  	v58 =	vld [tilespmem:s21+$0xFFFFFFA0];
	v19 =	vmul.f32 v1, v51;
	v1 =	vadd.f32 v27, v61;
	(erf) = vpow2.f32 v55  }
0x12f: {  	v30 =	vmin.f32 v30, $6.000000000e+01;
	v61 =	vld [tilespmem:s21+$0xFFFFFFB0];
	v27 =	vadd.f32 v57, v31;
	v31 =	vadd.f32 v56, v36  }
0x130: {  	v30 =	vmul.f32 $1.442695020e+00, v30;
	v57 =	vld [tilespmem:s21+$0x0];
	v1 =	vmin.f32 v1, $6.000000000e+01;
	v60 =	vadd.f32 v63, v29  }
0x131: {  	v27 =	vmin.f32 v27, $6.000000000e+01;
	v31 =	vmin.f32 v31, $6.000000000e+01;
	v1 =	vmul.f32 $1.442695020e+00, v1  }
0x132: {  	v63 =	vld [tilespmem:s21+$0xFFFFFFC0];
	v27 =	vmul.f32 $1.442695020e+00, v27;
	v31 =	vmul.f32 $1.442695020e+00, v31;
	v6 =	vmin.f32 v23, $6.000000000e+01  }
0x133: {  	v51 =	vld [tilespmem:s21+$0xC0];
	v23 =	vmin.f32 v54, $6.000000000e+01;
	v28 =	vmin.f32 v60, $6.000000000e+01;
	v5 =	vmul.f32 $1.442695020e+00, v6  }
0x134: {  	v54 =	vld [tilespmem:s21+$0xFFFFFFD0];
	v6 =	vmul.f32 $1.442695020e+00, v0;
	v18 =	vmul.f32 $1.442695020e+00, v23;
	v0 =	vadd.f32 v58, v32  }
0x135: {  	v60 =	vld [tilespmem:s21+$0x20];
	v23 =	vmin.f32 v62, $6.000000000e+01;
	v22 =	vadd.f32 v61, v22;
	v29 =	vadd.f32 v37, v57  }
0x136: {  	v28 =	vmul.f32 $1.442695020e+00, v28;
	v58 =	vld [tilespmem:s21+$0x10];
	v23 =	vmul.f32 $1.442695020e+00, v23;
	v0 =	vmin.f32 v0, $6.000000000e+01  }
0x137: {  	v52 =	vld [tilespmem:s21+$0x50];
	v24 =	vadd.f32 v33, v63;
	v22 =	vmin.f32 v22, $6.000000000e+01;
	v29 =	vmin.f32 v29, $6.000000000e+01;
	v46 =	vpop (erf)  }
0x138: {  	v55 =	vld [tilespmem:s21+$0xFFFFFFE0];
	v21 =	vadd.f32 v21, v51;
	v0 =	vmul.f32 $1.442695020e+00, v0;
	v61 =	vadd.f32 $1.000000000e+00, v46  }
0x139: {  	v22 =	vmul.f32 $1.442695020e+00, v22;
	v29 =	vmul.f32 $1.442695020e+00, v29;
	v59 =	vadd.f32 v54, v34  }
0x13a: {  	v63 =	vld [tilespmem:s21+$0x40];
	v24 =	vmin.f32 v24, $6.000000000e+01;
	v34 =	vadd.f32 v60, v39;
	(erf) = vrcp.f32 v61  }
0x13b: {  	v62 =	vld [tilespmem:s21+$0x30];
	v24 =	vmul.f32 $1.442695020e+00, v24;
	v32 =	vadd.f32 v58, v38;
	(erf) = vpow2.f32 v1  }
0x13c: {  	v58 =	vadd.f32 v52, v44;
	v33 =	vmin.f32 v59, $6.000000000e+01;
	(erf) = vpow2.f32 v25  }
0x13d: {  	v56 =	vld [tilespmem:s21+$0x70];
	v34 =	vmin.f32 v34, $6.000000000e+01;
	v35 =	vadd.f32 v55, v35;
	(erf) = vpow2.f32 v28  }
0x13e: {  	v54 =	vld [tilespmem:s21+$0x60];
	v33 =	vmul.f32 $1.442695020e+00, v33;
	v32 =	vmin.f32 v32, $6.000000000e+01;
	(erf) = vpow2.f32 v23  }
0x13f: {  	v36 =	vadd.f32 v42, v63;
	v34 =	vmul.f32 $1.442695020e+00, v34;
	(erf) = vpow2.f32 v30  }
0x140: {  	v57 =	vld [tilespmem:s21+$0x80];
	v55 =	vadd.f32 v62, v41;
	v32 =	vmul.f32 $1.442695020e+00, v32;
	(erf) = vpow2.f32 v27  }
0x141: {  	v35 =	vmin.f32 v35, $6.000000000e+01;
	v36 =	vmin.f32 v36, $6.000000000e+01;
	(erf) = vpow2.f32 v0  }
0x142: {  	v35 =	vmul.f32 $1.442695020e+00, v35;
	v61 =	vadd.f32 v56, v49;
	(erf) = vpow2.f32 v22  }
0x143: {  	v60 =	vld [tilespmem:s21+$0xA0];
	v46 =	vadd.f32 $-1.000000000e+00, v46;
	v1 =	vadd.f32 v54, v45;
	v62 =	vpop (erf);
	(erf) = vpow2.f32 v24  }
0x144: {  	v25 =	vmin.f32 v55, $6.000000000e+01;
	v49 =	vmin.f32 v61, $6.000000000e+01;
	v48 =	vpop (erf);
	(erf) = vpow2.f32 v33  }
0x145: {  	v59 =	vld [tilespmem:s21+$0x90];
	v25 =	vmul.f32 $1.442695020e+00, v25;
	v23 =	vadd.f32 v50, v57;
	v50 =	vpop (erf);
	(erf) = vpow2.f32 v35  }
0x146: {  	v45 =	vld [tilespmem:s21+$0xD0];
	v1 =	vmin.f32 v1, $6.000000000e+01;
	v55 =	vmul.f32 $1.442695020e+00, v49;
	v52 =	vpop (erf);
	(erf) = vpow2.f32 v31  }
0x147: {  	v1 =	vmul.f32 $1.442695020e+00, v1;
	v57 =	vmin.f32 v21, $6.000000000e+01;
	v44 =	vpop (erf);
	(erf) = vpow2.f32 v29  }
0x148: {  	v63 =	vld [tilespmem:s21+$0xB0];
	v0 =	vadd.f32 v60, v47;
	v22 =	vmul.f32 v62, v46;
	v47 =	vpop (erf);
	(erf) = vpow2.f32 v32  }
0x149: {  	v30 =	vmin.f32 v58, $6.000000000e+01;
	v46 =	vmul.f32 $1.442695020e+00, v36;
	v32 =	vpop (erf);
	(erf) = vpow2.f32 v34  }
0x14a: {  	v27 =	vadd.f32 v59, v40;
	v30 =	vmul.f32 $1.442695020e+00, v30;
	v37 =	vpop (erf);
	(erf) = vpow2.f32 v25  }
0x14b: {  	v54 =	vld [tilespmem:s21+$0xE0];
	v23 =	vmin.f32 v23, $6.000000000e+01;
	v20 =	vadd.f32 v45, v20;
	v56 =	vpop (erf);
	(erf) = vpow2.f32 v46  }
0x14c: {  	v23 =	vmul.f32 $1.442695020e+00, v23;
	v27 =	vmin.f32 v27, $6.000000000e+01;
	v31 =	vpop (erf);
	(erf) = vpow2.f32 v30  }
0x14d: {  	v24 =	vadd.f32 v63, v43;
	v27 =	vmul.f32 $1.442695020e+00, v27;
	v29 =	vpop (erf);
	(erf) = vpow2.f32 v1  }
0x14e: {  	v59 =	vmul.f32 $1.442695020e+00, v26;
	v0 =	vmin.f32 v0, $6.000000000e+01;
	v21 =	vpop (erf);
	(erf) = vpow2.f32 v55  }
0x14f: {  	v0 =	vmul.f32 $1.442695020e+00, v0;
	v24 =	vmin.f32 v24, $6.000000000e+01;
	v25 =	vpop (erf);
	(erf) = vpow2.f32 v23  }
0x150: {  	v19 =	vadd.f32 v54, v19;
	v24 =	vmul.f32 $1.442695020e+00, v24;
	v23 =	vpop (erf);
	(erf) = vpow2.f32 v27  }
0x151: {  	v20 =	vmin.f32 v20, $6.000000000e+01;
	v1 =	vmul.f32 $1.442695020e+00, v57;
	v27 =	vpop (erf);
	(erf) = vpow2.f32 v0  }
0x152: {  	v58 =	vmin.f32 v19, $6.000000000e+01;
	v20 =	vmul.f32 $1.442695020e+00, v20;
	v60 =	vpop (erf);
	(erf) = vpow2.f32 v24  }
0x153: {  	v0 =	vmul.f32 $1.442695020e+00, v58;
	v61 =	vpop (erf);
	(erf) = vpow2.f32 v1  }
0x154: {  	v62 =	vadd.f32 $1.000000000e+00, v48;
	v63 =	vadd.f32 $1.000000000e+00, v50;
	v35 =	vpop (erf);
	(erf) = vpow2.f32 v20  }
0x155: {  	v34 =	vadd.f32 $-1.000000000e+00, v50;
	v50 =	vadd.f32 $1.000000000e+00, v52;
	v49 =	vpop (erf);
	(erf) = vpow2.f32 v0  }
0x156: {  	v24 =	vadd.f32 $-1.000000000e+00, v48;
	v48 =	vadd.f32 $-1.000000000e+00, v52;
	(erf) = vpow2.f32 v5;
	v52 =	vpop (erf)  }
0x157: {  	v51 =	vadd.f32 $-1.000000000e+00, v44;
	v28 =	vadd.f32 $1.000000000e+00, v44;
	(erf) = vpow2.f32 v6;
	v43 =	vpop (erf)  }
0x158: {  	v54 =	vadd.f32 $-1.000000000e+00, v47;
	v36 =	vadd.f32 $1.000000000e+00, v47;
	(erf) = vpow2.f32 v18;
	v18 =	vpop (erf)  }
0x159: {  	v44 =	vadd.f32 $-1.000000000e+00, v32;
	v32 =	vadd.f32 $1.000000000e+00, v32;
	(erf) = vpow2.f32 v59;
	v5 =	vpop (erf)  }
0x15a: {  	[tilespmem:s20+$0x80] =	vst v10;
	v45 =	vadd.f32 $-1.000000000e+00, v37;
	v33 =	vadd.f32 $-1.000000000e+00, v31;
	(erf) = vrcp.f32 v62;
	v6 =	vpop (erf)  }
0x15b: {  	[tilespmem:s20+$0x90] =	vst v11;
	v57 =	vadd.f32 $1.000000000e+00, v31;
	v55 =	vadd.f32 $1.000000000e+00, v37;
	(erf) = vrcp.f32 v63;
	v10 =	vpop (erf)  }
0x15c: {  	[tilespmem:s20+$0xA0] =	vst v17;
	v37 =	vadd.f32 $-1.000000000e+00, v56;
	v56 =	vadd.f32 $1.000000000e+00, v56;
	(erf) = vrcp.f32 v50;
	v11 =	vpop (erf)  }
0x15d: {  	[tilespmem:s20+$0xB0] =	vst v16;
	v58 =	vadd.f32 $1.000000000e+00, v29;
	v31 =	vadd.f32 $-1.000000000e+00, v23;
	(erf) = vrcp.f32 v28;
	v16 =	vpop (erf)  }
0x15e: {  	[tilespmem:s20+$0xC0] =	vst v14;
	v23 =	vadd.f32 $1.000000000e+00, v23;
	v20 =	vadd.f32 $-1.000000000e+00, v29;
	(erf) = vrcp.f32 v36;
	v14 =	vpop (erf)  }
0x15f: {  	[tilespmem:s20+$0xD0] =	vst v15;
	v29 =	vadd.f32 $-1.000000000e+00, v21;
	v21 =	vadd.f32 $1.000000000e+00, v21;
	v15 =	vpop (erf);
	(erf) = vrcp.f32 v32  }
0x160: {  	[tilespmem:s20+$0xE0] =	vst v13;
	v26 =	vadd.f32 $-1.000000000e+00, v61;
	v61 =	vadd.f32 $1.000000000e+00, v61;
	v13 =	vpop (erf);
	(erf) = vrcp.f32 v55  }
0x161: {  	[tilespmem:s20+$0xFFFFFF00] =	vst v12;
	v17 =	vadd.f32 $-1.000000000e+00, v35;
	v47 =	vadd.f32 $1.000000000e+00, v49;
	v12 =	vpop (erf);
	(erf) = vrcp.f32 v56  }
0x162: {  	[tilespmem:s20+$0xFFFFFF10] =	vst v9;
	v59 =	vadd.f32 $1.000000000e+00, v27;
	v63 =	vadd.f32 $1.000000000e+00, v35;
	v9 =	vpop (erf);
	(erf) = vrcp.f32 v57  }
0x163: {  	v28 =	vadd.f32 $-1.000000000e+00, v25;
	v25 =	vadd.f32 $1.000000000e+00, v25;
	v62 =	vpop (erf);
	(erf) = vrcp.f32 v58  }
0x164: {  	[tilespmem:s20+$0xFFFFFF30] =	vst v7;
	v32 =	vadd.f32 $-1.000000000e+00, v27;
	v7 =	vmul.f32 v62, v24;
	v35 =	vpop (erf);
	(erf) = vrcp.f32 v21  }
0x165: {  	v27 =	vadd.f32 $-1.000000000e+00, v60;
	v60 =	vadd.f32 $1.000000000e+00, v60;
	v46 =	vpop (erf);
	(erf) = vrcp.f32 v25  }
0x166: {  	v21 =	vadd.f32 $-1.000000000e+00, v49;
	[tilespmem:s21+$0xFFFFFF40] =	vst v7;
	v7 =	vmul.f32 v46, v48;
	v48 =	vpop (erf);
	(erf) = vrcp.f32 v23  }
0x167: {  	v23 =	vadd.f32 $-1.000000000e+00, v52;
	v49 =	vmul.f32 v48, v51;
	v50 =	vpop (erf);
	(erf) = vrcp.f32 v59  }
0x168: {  	v51 =	vadd.f32 $1.000000000e+00, v52;
	[tilespmem:s21+$0xFFFFFF60] =	vst v7;
	v7 =	vmul.f32 v50, v54;
	v52 =	vpop (erf);
	(erf) = vrcp.f32 v60  }
0x169: {  	v56 =	vpop (erf);
	(erf) = vrcp.f32 v61  }
0x16a: {  	[tilespmem:s21+$0xFFFFFF80] =	vst v7;
	v7 =	vmul.f32 v56, v45;
	v58 =	vpop (erf);
	(erf) = vrcp.f32 v63  }
0x16b: {  	[tilespmem:s20+$0xFFFFFF20] =	vst v8;
	v61 =	vpop (erf);
	(erf) = vrcp.f32 v47  }
0x16c: {  	[tilespmem:s21+$0xFFFFFFA0] =	vst v7;
	v7 =	vmul.f32 v61, v33;
	v62 =	vpop (erf);
	(erf) = vrcp.f32 v51  }
0x16d: {  	[tilespmem:s21+$0xF0] =	vst v22;
	v57 =	vadd.f32 $1.000000000e+00, v43;
	v24 =	vadd.f32 $1.000000000e+00, v6;
	v36 =	vmul.f32 v35, v34;
	v2 =	vpop (erf)  }
0x16e: {  	v59 =	vadd.f32 $-1.000000000e+00, v18;
	v18 =	vadd.f32 $1.000000000e+00, v18;
	[tilespmem:s21+$0xFFFFFFC0] =	vst v7;
	v7 =	vmul.f32 v2, v29;
	v25 =	vpop (erf)  }
0x16f: {  	[tilespmem:s21+$0xFFFFFF50] =	vst v36;
	v55 =	vmul.f32 v52, v44;
	v63 =	vadd.f32 $1.000000000e+00, v5;
	(erf) = vrcp.f32 v57;
	v33 =	vpop (erf)  }
0x170: {  	v34 =	vadd.f32 $1.000000000e+00, v11;
	(erf) = vrcp.f32 v18;
	[tilespmem:s21+$0xFFFFFFE0] =	vst v7;
	v7 =	vmul.f32 v33, v31;
	v35 =	vpop (erf)  }
0x171: {  	[tilespmem:s21+$0xFFFFFF70] =	vst v49;
	v60 =	vmul.f32 v58, v37;
	v29 =	vadd.f32 $1.000000000e+00, v10;
	(erf) = vrcp.f32 v63;
	v38 =	vpop (erf)  }
0x172: {  	v36 =	vadd.f32 $1.000000000e+00, v16;
	(erf) = vrcp.f32 v24;
	[tilespmem:s21+$0x0] =	vst v7;
	v7 =	vmul.f32 v38, v27;
	v40 =	vpop (erf)  }
0x173: {  	v54 =	vadd.f32 $-1.000000000e+00, v43;
	[tilespmem:s21+$0xFFFFFF90] =	vst v55;
	v20 =	vmul.f32 v62, v20;
	(erf) = vrcp.f32 v29;
	v43 =	vpop (erf)  }
0x174: {  	v39 =	vadd.f32 $1.000000000e+00, v14;
	(erf) = vrcp.f32 v34;
	[tilespmem:s21+$0x20] =	vst v7;
	v7 =	vmul.f32 v43, v17;
	v45 =	vpop (erf)  }
0x175: {  	v41 =	vadd.f32 $1.000000000e+00, v15;
	[tilespmem:s21+$0xFFFFFFB0] =	vst v60;
	v30 =	vmul.f32 v25, v28;
	(erf) = vrcp.f32 v36;
	v47 =	vpop (erf)  }
0x176: {  	v44 =	vadd.f32 $1.000000000e+00, v13;
	(erf) = vrcp.f32 v39;
	[tilespmem:s21+$0x40] =	vst v7;
	v7 =	vmul.f32 v47, v23  }
0x177: {  	v5 =	vadd.f32 $-1.000000000e+00, v5;
	[tilespmem:s21+$0xFFFFFFD0] =	vst v20;
	v37 =	vmul.f32 v35, v32;
	(erf) = vrcp.f32 v41  }
0x178: {  	v46 =	vadd.f32 $1.000000000e+00, v12;
	[tilespmem:s21+$0xFFFFFFF0] =	vst v30;
	v42 =	vmul.f32 v40, v26;
	v49 =	vpop (erf)  }
0x179: {  	v6 =	vadd.f32 $-1.000000000e+00, v6;
	[tilespmem:s21+$0x10] =	vst v37;
	v17 =	vmul.f32 v45, v21;
	(erf) = vrcp.f32 v44;
	v50 =	vpop (erf)  }
0x17a: {  	v48 =	vadd.f32 $1.000000000e+00, v9;
	v1 =	vmul.f32 v49, v54;
	(erf) = vrcp.f32 v46;
	[tilespmem:s21+$0x60] =	vst v7;
	v7 =	vpop (erf)  }
0x17b: {  	v51 =	vadd.f32 $-1.000000000e+00, v10;
	[tilespmem:s21+$0x30] =	vst v42;
	v0 =	vmul.f32 v50, v59;
	v52 =	vmul.f32 v7, v5;
	v5 =	vpop (erf)  }
0x17c: {  	[tilespmem:s21+$0x50] =	vst v17;
	(erf) = vrcp.f32 v48;
	v7 =	vadd.f32 $-1.000000000e+00, v11;
	v54 =	vmul.f32 v5, v6;
	v5 =	vpop (erf)  }
0x17d: {  	[tilespmem:s21+$0x70] =	vst v1;
	v6 =	vadd.f32 $-1.000000000e+00, v16;
	v55 =	vmul.f32 v5, v51;
	v5 =	vpop (erf)  }
0x17e: {  	v56 =	vadd.f32 $-1.000000000e+00, v14;
	[tilespmem:s21+$0x80] =	vst v0;
	v57 =	vmul.f32 v5, v7;
	v5 =	vpop (erf)  }
0x17f: {  	[tilespmem:s21+$0x90] =	vst v52;
	v7 =	vadd.f32 $-1.000000000e+00, v15;
	v58 =	vmul.f32 v5, v6;
	v5 =	vpop (erf)  }
0x180: {  	[tilespmem:s21+$0xA0] =	vst v54;
	v59 =	vmul.f32 v5, v56;
	v5 =	vpop (erf)  }
0x181: {  	[tilespmem:s21+$0xB0] =	vst v55;
	v5 =	vmul.f32 v5, v7  }
0x182: {  	v6 =	vadd.f32 $-1.000000000e+00, v13;
	[tilespmem:s21+$0xC0] =	vst v57  }
0x183: {  	v60 =	vadd.f32 $-1.000000000e+00, v12;
	[tilespmem:s21+$0xD0] =	vst v58;
	v61 =	vpop (erf)  }
0x184: {  	v7 =	vadd.f32 $-1.000000000e+00, v9;
	v1 =	vmul.f32 v61, v6;
	[tilespmem:s21+$0xE0] =	vst v59;
	v62 =	vpop (erf)  }
0x185: {  	[tilespmem:s21+$0xFFFFFF00] =	vst v5;
	v0 =	vmul.f32 v62, v60;
	v5 =	vpop (erf)  }
0x186: {  	s18 =	sadd.s32 $0x1, s18;
	[tilespmem:s21+$0xFFFFFF10] =	vst v1;
	v63 =	vmul.f32 v5, v7  }
0x187: {  	s19 =	sshll.u32 s19, $0x3;
	p0 =	sne.s32 s18, $0x19;
	[tilespmem:s21+$0xFFFFFF20] =	vst v0  }
.Ltmp1:
0x188: {  	s19 =	sadd.s32 s7, s19;
	[tilespmem:s21+$0xFFFFFF30] =	vst v63;
	(pc) =	sbr.rel @p0 .LBB2_2-.Ltmp1, $4  }
0x189: {  	[hbm4b:s19+s2] =	stream.linear.scatter [tilespmem:s14], [sflag:$0x2], $0x4000, $0x38;
	[tilespmem:$0x4240] =	vst v63  }
0x18a: {  	_ =	swait.ge [sflag:s11], $0x4000  }
0x18b: {  	[sflag:s11] =	ssyncset.done $0x0  }
0x18c: {  	[sflag:s11] =	ssyncadd.s32 $0xFFFFC000  }
0x18d: {  	s17 =	sadd.s32 $0x1, s17  }
0x18e: {  	p0 =	sne.s32 s17, s9  }
.Ltmp2:
0x18f: {  	_ = 	snop;
	(pc) =	sbr.rel @p0 .LBB2_1-.Ltmp2, $1  }
0x190: {  	_ =	sdelay $0x3  }
0x191: {  	_ =	sfence.sel $0x180000  }
0x192: {  	[bflag:$0x0] =	sbarrier.arrive $0xFFFF  }
0x193: {  	p0 =	sne.s32 s3, $0x0;
	_ =	strace $0x90000047  }
0x194: {  	s0 =	sadd.s32 @!p0 $0x100000, s0;
	[bflag:$0x2] =	sbarrier.arrive $0xFFFF  }
0x195: {  	[sflag:s0] =	ssyncadd.tile.s32 @!p0 $0x1;
	_ =	shalt  }
.Lfunc_end2:
_tile_overlayer_lowered:
.L_overlay_start_2:
0x196: {  	(tag) =	ssettag $0x2  }
0x197: {  	s0 =	rddreg [dreg:$0x0];
	s2 =	stileid.u32  }
0x198: {  	s1 =	rddreg [dreg:$0x1];
	p0 =	sne.s32 s2, $0x0  }
0x199: {  	s3 =	rddreg [dreg:$0x2];
	[bflag:$0x3] =	sbarrier.arrive $0xFFFF;
	s2 =	simm.s32 @!p0 $0x1C02  }
0x19a: {  	[timem:s3], [sflag:s2] =	dma.local @!p0 [hbm:s0], s1  }
0x19b: {  	s0 =	simm.s32 @!p0 $0x2  }
0x19c: {  	_ =	swait.ge @!p0 [sflag:s0], s1  }
0x19d: {  	s1 =	ssub.s32 @!p0 $0x0, s1;
	[sflag:s0] =	ssyncset.done @!p0 $0x0  }
0x19e: {  	[sflag:s0] =	ssyncadd.s32 @!p0 s1  }
0x19f: {  	[bflag:$0x3] =	sbarrier.arrive $0xFFFF  }
0x1a0: {  	_ =	shalt  }

// kernel: sparse-core-data-format-call.cloned.1.call-start
scs
called_computation_lowered:
.L_overlay_start_0:
0x0: {  	s2 =	sld [smem:$0x3FD9]  }
0x1: {  	s3 =	sld [smem:$0x3FFE];
	_ =	sdelay $0x1  }
0x2: {  	s1 =	srdreg.scid  }
0x3: {  	s0 =	sand.u32 $0x1, s1  }
0x4: {  	s18 =	sshll.u32 s0, $0xA;
	s2 =	sadd.s32 s3, s2  }
0x5: {  	s2 =	sadd.s32 s2, s18  }
0x6: {  	[smem:$0x3FC1] =	sst s2  }
0x7: {  	_ = 	snop  }
0x8: {  	s2 =	sld [smem:$0x3FD0];
	(tm) =	ssettm $0x1  }
0x9: {  	s19 =	sld [smem:$0x3FFB];
	_ =	sdelay $0x3  }
0xa: {  	_ =	strace s19  }
0xb: {  	s3 =	sld [smem:$0x3FFC];
	_ =	sdelay $0x3  }
0xc: {  	_ =	strace s3  }
0xd: {  	s3 =	sld [smem:$0x3FFD];
	_ =	sdelay $0x3  }
0xe: {  	_ =	strace s3  }
0xf: {  	_ =	strace $0x8FFFFFFF  }
0x10: {  	s20 =	sld [smem:$0x3FDB];
	_ =	sdelay $0x1  }
0x11: {  	s4 =	simm.s32 $_scs_section_size  }
0x12: {  	s5 =	simm.s32 $_size__tile_overlayer_lowered;
	s6 =	simm.s32 $_tile_overlayer_lowered  }
0x13: {  	s23 =	simm.s32 $0x1BFF;
	s22 =	sshll.u32 s6, $0x1;
	s3 =	sadd.s32 s4, s20  }
0x14: {  	s7 =	simm.s32 $0x0;
	s21 =	sshll.u32 s5, $0x1;
	s5 =	sadd.s32 s22, s3  }
0x15: {  	[timem:s7], [sflag:s23] =	dma.local [hbm:s5], s21  }
0x16: {  	_ =	swait.ge [sflag:s23], s21  }
0x17: {  	s4 =	ssub.s32 $0x0, s21;
	[sflag:s23] =	ssyncset.done $0x0  }
0x18: {  	[sflag:s23] =	ssyncadd.s32 s4;
	_ =	sdelay $0x1  }
0x19: {  	s24 =	simm.s32 $0x1B8B  }
0x1a: {  	_ =	swait.ge [sflag:s24], $0x1  }
0x1b: {  	[sflag:s24] =	ssyncset.done $0x0  }
0x1c: {  	s26 =	simm.s32 $0x1B8E;
	s25 =	sld [smem:$0x3FFE];
	[sflag:s24] =	ssyncadd.s32 $0xFFFFFFFF  }
0x1d: {  	s27 =	simm.s32 $execute0_lowered;
	[smem:$0x3FD2] =	sst s26  }
0x1e: {  	s5 =	sshll.u32 s27, $0x1;
	_ =	strace $0x80000049;
	[dreg:$0x1] =	wrdreg $0xFFFFFFFF  }
0x1f: {  	s28 =	simm.s32 $_size_execute0_lowered;
	s3 =	sadd.s32 s3, s5;
	[dreg:$0x0] =	wrdreg $0x0  }
0x20: {  	s5 =	sshll.u32 s28, $0x1;
	[dreg:$0x2] =	wrdreg s3  }
0x21: {  	[dreg:$0x3] =	wrdreg s5  }
0x22: {  	[dreg:$0x4] =	wrdreg $0xC0  }
0x23: {  	_ =	task [dreg:s7], $0x5FFFF  }
0x24: {  	[dreg:$0x1] =	wrdreg $0xFFFFFFFF  }
0x25: {  	[dreg:$0x0] =	wrdreg $0x60  }
0x26: {  	[dreg:$0x2] =	wrdreg s25  }
0x27: {  	[dreg:$0x3] =	wrdreg s2  }
0x28: {  	[dreg:$0x4] =	wrdreg $0x9  }
0x29: {  	_ =	task.clear_ibuf [dreg:s7], $0x5FFFF;
	_ =	strace $0x90000049  }
0x2a: {  	s29 =	simm.s32 $0x9;
	_ =	strace $0x8000004B  }
0x2b: {  	_ =	swait.ge [sflag:s29], $0x1  }
0x2c: {  	[sflag:s29] =	ssyncadd.s32 $0xFFFFFFFF  }
0x2d: {  	_ =	strace $0x9000004B  }
0x2e: {  	_ =	sfence  }
0x2f: {  	s30 =	sld [smem:$0x0];
	_ =	sdelay $0x2  }
0x30: {  	s31 =	sshll.u32 s1, $0xD;
	s1 =	sshrl.u32 s1, $0x2  }
0x31: {  	s3 =	sand.u32 $0x4000, s31;
	s1 =	sadd.s32 s1, s30  }
0x32: {  	s0 =	sor.u32 s3, s0;
	s1 =	sshll.u32 s1, $0x11  }
0x33: {  	s0 =	sor.u32 s1, s0  }
0x34: {  	s0 =	sadd.s32 $0x8F2B, s0  }
0x35: {  	[sflag:s0] =	ssyncadd.remote.s32 $0x1  }
0x36: {  	_ =	sfence.sel $0xFFFF  }
0x37: {  	[dreg:$0x0] =	wrdreg $0xFFFFFFFF;
	(pc) =	sbr.abs _section_cstart, $3  }
0x38: {  	[dreg:$0x1] =	wrdreg $0xFFFFFFFF  }
0x39: {  	_ =	task.clear_ibuf [dreg:s7], $0x2FFFF;
	_ =	strace $0x9FFFFFFF  }
0x3a: {  	(tm) =	ssettm $0x7FFFFFFF  }
0x3b: {  	_ =	shalt  }
tec
execute0_lowered:
.L_overlay_start_1:
0x0: {  	(tag) =	ssettag $0x1  }
0x1: {  	s0 =	srdreg.scid  }
0x2: {  	s1 =	sshll.u32 s0, $0x4  }
0x3: {  	s0 =	stileid.u32;
	s1 =	sand.u32 $0x10, s1  }
0x4: {  	s1 =	sor.u32 s0, s1  }
0x5: {  	s6 =	rddreg [dreg:$0x0];
	s4 =	simm.s32 $0x1;
	s2 =	sshll.u32 s1, $0x7  }
0x6: {  	s7 =	simm.s32 $0x2;
	s12 =	simm.s32 $0x0;
	s1 =	ssub.s32 $0x1000, s2  }
0x7: {  	s8 =	simm.s32 $0x8000;
	s13 =	simm.s32 $0x0;
	s3 =	sand.u32 $0xF80, s1  }
0x8: {  	s9 =	simm.s32 $0x0;
	s5 =	sshrl.u32 s1, $0xC;
	p0 =	sne.s32 s3, $0x0  }
.Ltmp0:
0x9: {  	s1 =	rddreg [dreg:$0x2];
	s4 =	simm.s32 @!p0 $0x0;
	(pc) =	sbr.rel .LBB1_1-.Ltmp0, $4  }
0xa: {  	s11 =	simm.s32 $0x0;
	s3 =	rddreg [dreg:$0x1];
	s5 =	sadd.s32 s4, s5  }
0xb: {  	_ =	strace $0x8000004A;
	s4 =	simm.s32 $0x1;
	s5 =	smul.u32 $0xC8, s5  }
0xc: {  	s6 =	sadd.s32 $0xAF8C00, s6;
	s10 =	smov.u32 s2;
	[sflag:s4] =	ssyncpa.u1 $0x0  }
0xd: {  	p0 =	por $0x0, $0x0;
	[sflag:s7] =	ssyncpa.u1 $0x0;
	s7 =	sor.u32 $0x1, s5  }
.LBB1_4:
0xe: {  	s16 =	sshll.u32 s13, $0x3;
	s17 =	sand.u32 $0x78, s13  }
0xf: {  	s30 =	sand.u32 $0x7E00, s13;
	s12 =	sshll.u32 s12, $0xF;
	s16 =	sand.u32 $0xC00, s16  }
0x10: {  	[tilespmem:s15+$0x810 ss:$0x81] =	vst.msk $0xffff, v2;
	s31 =	sand.u32 $0x7, s13;
	s16 =	sor.u32 s17, s16;
	s17 =	sadd.s32 s3, s30  }
0x11: {  	[tilespmem:s15+$0x1020 ss:$0x81] =	vst.msk $0xffff, v0;
	s13 =	sshll.u32 s31, $0x12;
	s12 =	sadd.s32 s12, s17;
	s16 =	sshrl.u32 s16, $0x3  }
0x12: {  	[tilespmem:s15+$0x0 ss:$0x81] =	vst.msk $0xffff, v1;
	s13 =	sor.u32 $0x400, s13;
	s12 =	sadd.s32 s16, s12  }
0x13: {  	[hbm4b:s12+s13] =	stream.strided.scatter [tilespmem:s14], [sflag:$0x2], $0x2000, s8, s13, $0x20;
	[tilespmem:$0x8080] =	vst v63  }
.LBB1_5:
0x14: {  	s14 =	sadd.s32 $0x1, s9  }
0x15: {  	s12 =	sadd.s32 $0x1000, s10;
	s16 =	smov.u32 s10;
	p2 =	sgt.s32 s14, $0xC7  }
0x16: {  	s16 =	smov.u32 @p2 s12  }
0x17: {  	s14 =	simm.s32 @p2 $0x0;
	p2 =	sgt.s32 s16, $0xFFF  }
0x18: {  	s16 =	smov.u32 @p2 s2;
	p2 =	sne.s32 s11, s7  }
.Ltmp1:
0x19: {  	p1 =	slt.u32 s11, $0x2;
	(pc) =	sbr.rel @!p2 .LBB1_6-.Ltmp1, $4  }
0x1a: {  	s15 =	simm.s32 @!p1 $0x2  }
0x1b: {  	s13 =	smov.u32 s10;
	p0 =	por !p0, !p0;
	_ =	swait.ge @!p1 [sflag:s15], $0x2000  }
0x1c: {  	s12 =	smov.u32 s9;
	[sflag:s15] =	ssyncset.done @!p1 $0x0;
	s9 =	smov.u32 s14  }
0x1d: {  	s11 =	sadd.s32 $0x1, s11;
	[sflag:s15] =	ssyncadd.s32 @!p1 $0xFFFFE000;
	s10 =	smov.u32 s16  }
.LBB1_1:
0x1e: {  	p1 =	sge.u32 s11, s5  }
0x1f: {  	s14 =	sand.u32 @!p1 $0x1FFFFFF, s9  }
0x20: {  	s15 =	smulhi.u32 @!p1 $0x147AE15, s14;
	_ =	sdelay $0x1  }
0x21: {  	s15 =	smul.u32 @!p1 $0xC8, s15  }
0x22: {  	s16 =	sxor.u32 @!p1 $0xFFFFFFFF, s11;
	s17 =	smul.u32 @!p1 $0xC80, s10  }
0x23: {  	s31 =	sadd.s32 $0xFFFFFFFF, s11;
	s16 =	sshll.u32 @!p1 s16, $0xD;
	s14 =	ssub.s32 @!p1 s14, s15  }
0x24: {  	s15 =	sand.u32 @!p1 $0x2000, s16;
	s16 =	sadd.s32 @!p1 s6, s17;
	s14 =	sshll.u32 @!p1 s14, $0x4  }
0x25: {  	s17 =	simm.s32 @!p1 $0x6400;
	s14 =	sadd.s32 @!p1 s14, s16;
	s16 =	simm.s32 @!p1 $0x40  }
0x26: {  	[tilespmem:s15], [sflag:$0x1] =	stream.strided.gather @!p1 [hbm4b:s14+s16], $0x2000, s17, s16, $0x38;
	[tilespmem:$0x8080] =	vst v63  }
0x27: {  	p1 =	sge.u32 s31, s5  }
.Ltmp2:
0x28: {  	_ = 	snop;
	(pc) =	sbr.rel @p1 .LBB1_5-.Ltmp2, $1  }
0x29: {  	_ =	sdelay $0x3  }
0x2a: {  	s14 =	simm.s32 $0x1  }
0x2b: {  	_ =	swait.ge [sflag:s4], $0x2000;
	s14 =	simm.s32 @!p0 $0x0  }
0x2c: {  	[sflag:s4] =	ssyncset.done $0x0;
	s15 =	sshll.u32 s14, $0xD  }
0x2d: {  	[sflag:s4] =	ssyncadd.s32 $0xFFFFE000;
	s18 =	sor.u32 $0x20, s15  }
0x2e: {  	s14 =	smul.u32 $0x8100, s14;
	v3 =	vld [tilespmem:s18+$0x10]  }
0x2f: {  	s30 =	sand.u32 $0x1, s11;
	v2 =	vld [tilespmem:s18+$0xFFFFFFF0]  }
0x30: {  	s15 =	smul.u32 $0x8100, s30;
	s14 =	sshrl.u32 s14, $0x2;
	v0 =	vld [tilespmem:s18+$0x0]  }
0x31: {  	v1 =	vld [tilespmem:s18+$0xFFFFFFE0];
	s16 =	sor.u32 $0x4000, s14  }
0x32: {  	s31 =	sshrl.u32 s15, $0x2;
	s15 =	sadd.s32 $0x0, s16  }
0x33: {  	s17 =	simm.s32 $0x4;
	s18 =	sadd.s32 $0x40, s18;
	s14 =	sor.u32 $0x4000, s31;
	[tilespmem:s15+$0x1830 ss:$0x81] =	vst.msk $0xffff, v3  }
.LBB1_3:
0x34: {  	v3 =	vld [tilespmem:s18+$0x10];
	p1 =	sne.s32 s17, $0x1FC;
	[tilespmem:s15+$0x810 ss:$0x81] =	vst.msk $0xffff, v2;
	s19 =	smov.u32 s17;
	s17 =	sadd.s32 $0x4, s17  }
.Ltmp3:
0x35: {  	v2 =	vld [tilespmem:s18+$0xFFFFFFF0];
	[tilespmem:s15+$0x1020 ss:$0x81] =	vst.msk $0xffff, v0;
	(pc) =	sbr.rel @p1 .LBB1_3-.Ltmp3, $4  }
0x36: {  	v0 =	vld [tilespmem:s18+$0x0];
	[tilespmem:s15+$0x0 ss:$0x81] =	vst.msk $0xffff, v1  }
0x37: {  	s15 =	sshra.s32 s19, $0x2;
	v1 =	vld [tilespmem:s18+$0xFFFFFFE0]  }
0x38: {  	s15 =	sadd.s32 s15, s16  }
0x39: {  	s18 =	sadd.s32 $0x40, s18;
	[tilespmem:s15+$0x1830 ss:$0x81] =	vst.msk $0xffff, v3  }
.Ltmp4:
0x3a: {  	_ = 	snop;
	(pc) =	sbr.rel .LBB1_4-.Ltmp4, $1  }
0x3b: {  	_ =	sdelay $0x3  }
.LBB1_6:
0x3c: {  	_ =	sfence.sel $0x180000  }
0x3d: {  	s2 =	simm.s32 $0x1;
	[bflag:$0x0] =	sbarrier.arrive $0xFFFF  }
0x3e: {  	s31 =	simm.s32 $0x2;
	[sflag:s2] =	ssyncpa.u1 $0x1  }
0x3f: {  	[sflag:s31] =	ssyncpa.u1 $0x1  }
0x40: {  	p0 =	sne.s32 s0, $0x0;
	_ =	strace $0x9000004A  }
0x41: {  	s0 =	sadd.s32 @!p0 $0x100000, s1;
	[bflag:$0x2] =	sbarrier.arrive $0xFFFF  }
0x42: {  	[sflag:s0] =	ssyncadd.tile.s32 @!p0 $0x1;
	_ =	shalt  }
.Lfunc_end1:
_tile_overlayer_lowered:
.L_overlay_start_2:
0x43: {  	(tag) =	ssettag $0x2  }
0x44: {  	s0 =	rddreg [dreg:$0x0];
	s2 =	stileid.u32  }
0x45: {  	s1 =	rddreg [dreg:$0x1];
	p0 =	sne.s32 s2, $0x0  }
0x46: {  	s3 =	rddreg [dreg:$0x2];
	[bflag:$0x3] =	sbarrier.arrive $0xFFFF;
	s2 =	simm.s32 @!p0 $0x1C01  }
0x47: {  	[timem:s3], [sflag:s2] =	dma.local @!p0 [hbm:s0], s1  }
0x48: {  	s0 =	simm.s32 @!p0 $0x1  }
0x49: {  	_ =	swait.ge @!p0 [sflag:s0], s1  }
0x4a: {  	s1 =	ssub.s32 @!p0 $0x0, s1;
	[sflag:s0] =	ssyncset.done @!p0 $0x0  }
0x4b: {  	[sflag:s0] =	ssyncadd.s32 @!p0 s1  }
0x4c: {  	[bflag:$0x3] =	sbarrier.arrive $0xFFFF  }
0x4d: {  	_ =	shalt  }

</sc_bundles>
